<compile_context>
chip_gen: v7x
topology: tpu7x:2x2x1
jax: 0.10.2.dev20260603
libtpu: 0.0.44.dev20260713+nightly
codegen_flags: <defaults>
</compile_context>

<pallas_src>
import jax
import jax.numpy as jnp
from jax import lax
from jax.experimental import pallas as pl
from jax.experimental.pallas import tpu as pltpu
from jax.experimental.pallas import tpu_sc as plsc

_T, _E, _K = 16384, 64, 8
_NC, _NS, _L = 2, 16, 16
_NW = _NC * _NS
_TPW = _T // _NW
_G = _TPW // _L
_SKEW = _E + 1

_SORT8 = ((0, 1), (2, 3), (4, 5), (6, 7),
          (0, 2), (1, 3), (4, 6), (5, 7),
          (1, 2), (5, 6),
          (0, 4), (1, 5), (2, 6), (3, 7),
          (2, 4), (3, 5),
          (1, 2), (3, 4), (5, 6))
_MERGE = ((0, 4), (1, 5), (2, 6), (3, 7),
          (0, 2), (1, 3), (4, 6), (5, 7),
          (0, 1), (2, 3), (4, 5), (6, 7))
_REPAIR = ((0, 1), (2, 3), (4, 5), (6, 7),
           (1, 2), (3, 4), (5, 6),
           (0, 1), (2, 3), (4, 5), (6, 7))


def _ce(a, i, j):
    hi = jnp.maximum(a[i], a[j])
    lo = jnp.minimum(a[i], a[j])
    a[i] = hi
    a[j] = lo


def _topk_body(logits_hbm, w_hbm, id_hbm, in_v, skew_v, w_v, id_v):
    wid = lax.axis_index("s") * _NC + lax.axis_index("c")
    base = wid * _TPW
    lanes = lax.iota(jnp.int32, _L)

    pltpu.sync_copy(logits_hbm.at[pl.ds(base, _TPW)], in_v)

    def skew(tok, carry):
        for c in range(_E // _L):
            skew_v[pl.ds(tok * _SKEW + c * _L, _L)] = (
                in_v[tok, pl.ds(c * _L, _L)])
        return carry

    lax.fori_loop(0, _TPW, skew, None)

    def body(g, carry):
        rows = g * _L + lanes
        srows = rows * _SKEW
        t = None
        for c in range(_E // 8):
            d = []
            for j in range(8):
                e = c * 8 + j
                v = plsc.load_gather(skew_v, [srows + e])
                x = plsc.bitcast(v, jnp.int32)
                d.append(plsc.bitcast(
                    (x & jnp.int32(-64)) | jnp.int32(63 - e),
                    jnp.float32))
            for i, j in _SORT8:
                _ce(d, i, j)
            if t is None:
                t = d
            else:
                mrg = [jnp.maximum(t[i], d[7 - i]) for i in range(8)]
                for i, j in _MERGE:
                    _ce(mrg, i, j)
                t = mrg
        ids = [jnp.int32(63) -
               (plsc.bitcast(tk, jnp.int32) & jnp.int32(63))
               for tk in t]
        vals = [plsc.load_gather(skew_v, [srows + ids[j]])
                for j in range(_K)]
        for i, j in _REPAIR:
            gt = vals[i] >= vals[j]
            vhi = jnp.where(gt, vals[i], vals[j])
            vlo = jnp.where(gt, vals[j], vals[i])
            ihi = jnp.where(gt, ids[i], ids[j])
            ilo = jnp.where(gt, ids[j], ids[i])
            vals[i], vals[j] = vhi, vlo
            ids[i], ids[j] = ihi, ilo
        ws = [jnp.exp(vals[j] - vals[0]) for j in range(_K)]
        s = ws[0]
        for j in range(1, _K):
            s = s + ws[j]
        r = jnp.float32(1.0) / s
        for j in range(_K):
            w_v[j, pl.ds(g * _L, _L)] = ws[j] * r
            id_v[j, pl.ds(g * _L, _L)] = ids[j]
        return carry

    lax.fori_loop(0, _G, body, None)
    pltpu.sync_copy(w_v, w_hbm.at[:, pl.ds(base, _TPW)])
    pltpu.sync_copy(id_v, id_hbm.at[:, pl.ds(base, _TPW)])


@jax.jit
def _run(logits):
    mesh = plsc.VectorSubcoreMesh(core_axis_name="c", subcore_axis_name="s")
    return pl.kernel(
        _topk_body,
        out_type=[jax.ShapeDtypeStruct((_K, _T), jnp.float32),
                  jax.ShapeDtypeStruct((_K, _T), jnp.int32)],
        mesh=mesh,
        scratch_types=[pltpu.VMEM((_TPW, _E), jnp.float32),
                       pltpu.VMEM((_TPW * _SKEW,), jnp.float32),
                       pltpu.VMEM((_K, _TPW), jnp.float32),
                       pltpu.VMEM((_K, _TPW), jnp.int32)],
        compiler_params=pltpu.CompilerParams(needs_layout_passes=False),
    )(logits)


def kernel(router_logits_fp32, topk_ids, topk_weights):
    w, ids = _run(router_logits_fp32)
    return w.T, ids.T.astype(jnp.int64)

# --- scband reference (transcript-rebuilt; emitter-appended) ---
"""Pipeline reference for scband-select-topk-3745211483118 (READ-ONLY COPY).

The authoritative reference and input builder live on the scoring server;
editing this copy changes nothing except your own understanding.
"""

import jax, jax.numpy as jnp
import numpy as np

T = 16384
E = 64
TOP_K = 8

def setup_inputs(seed: int = 0) -> dict:
    key = jax.random.key(seed)
    k1 = jax.random.fold_in(key, 1)
    router_logits_fp32 = jax.random.normal(k1, (T, E), dtype=jnp.float32)
    topk_ids = jnp.zeros((T, TOP_K), dtype=jnp.int64)
    topk_weights = jnp.zeros((T, TOP_K), dtype=jnp.float32)
    return {
        "router_logits_fp32": router_logits_fp32,
        "topk_ids": topk_ids,
        "topk_weights": topk_weights,
    }

def reference(router_logits_fp32, topk_ids, topk_weights):
    # Softmax over experts in fp32, then top-k selection, then renormalize
    # the selected probabilities so they sum to 1 per token (norm_topk_prob).
    probs = jax.nn.softmax(router_logits_fp32, axis=-1)
    sel_weights, sel_ids = jax.lax.top_k(probs, TOP_K)
    sel_weights = sel_weights / jnp.sum(sel_weights, axis=-1, keepdims=True)
    # The torch op writes results into the provided topk_ids / topk_weights
    # buffers in-place; here we return the computed values directly.
    return sel_weights, sel_ids.astype(jnp.int64)

if __name__ == "__main__":
    import jax
    _d = setup_inputs()
    print(jax.jit(kernel)(*tuple(_d.values())))

</pallas_src>

<mosaic_0001>
#map = affine_map<(d0, d1) -> (0, 0)>
module attributes {stable_mosaic.version = 14 : i64} {
  func.func @_topk_body(%arg0: i32, %arg1: i32, %arg2: memref<16384x64xf32, #tpu.memory_space<hbm>>, %arg3: memref<8x16384xf32, #tpu.memory_space<hbm>>, %arg4: memref<8x16384xi32, #tpu.memory_space<hbm>>, %arg5: memref<512x64xf32, #tpu.memory_space<vmem>>, %arg6: memref<33280xf32, #tpu.memory_space<vmem>>, %arg7: memref<8x512xf32, #tpu.memory_space<vmem>>, %arg8: memref<8x512xi32, #tpu.memory_space<vmem>>) attributes {dimension_semantics = [#tpu.dimension_semantics<core_parallel>, #tpu.dimension_semantics<subcore_parallel>], iteration_bounds = array<i64: 2, 16>, scalar_prefetch = 0 : i64, scratch_operands = 4 : i64, tpu.core_type = #tpu.core_type<sc_vector_subcore>, window_params = [{transform_indices = #map}, {transform_indices = #map}, {transform_indices = #map}]} {
    %mul3A = arith.constant 2 : i32
    %mul3A_0 = arith.muli %arg1, %mul3A : i32
    %add3A = arith.addi %mul3A_0, %arg0 : i32
    %mul3A_1 = arith.constant 512 : i32
    %mul3A_2 = arith.muli %add3A, %mul3A_1 : i32
    %iota3A = tpu.iota {dimensions = array<i32: 0>} : vector<16xi32>
    "tpu.region"() ({
      %run_scoped3A = tpu.sem_alloc : memref<!tpu.dma_semaphore, #tpu.memory_space<semaphore_mem>>
      %dma_start3A = arith.constant 0 : i32
      %dma_start3A_12 = tpu.memref_slice %arg2[%mul3A_2, %dma_start3A] : memref<16384x64xf32, #tpu.memory_space<hbm>> -> memref<512x64xf32, #tpu.memory_space<hbm>>
      %dma_start3A_13 = arith.constant 0 : i32
      %dma_start3A_14 = tpu.memref_slice %arg2[%mul3A_2, %dma_start3A_13] : memref<16384x64xf32, #tpu.memory_space<hbm>> -> memref<512x64xf32, #tpu.memory_space<hbm>>
      tpu.enqueue_dma source(%dma_start3A_14 : memref<512x64xf32, #tpu.memory_space<hbm>>) target(%arg5 : memref<512x64xf32, #tpu.memory_space<vmem>>) target_semaphore(%run_scoped3A : memref<!tpu.dma_semaphore, #tpu.memory_space<semaphore_mem>>)
      %dma_wait3A = arith.constant 0 : i32
      %dma_wait3A_15 = tpu.memref_slice %arg2[%mul3A_2, %dma_wait3A] : memref<16384x64xf32, #tpu.memory_space<hbm>> -> memref<512x64xf32, #tpu.memory_space<hbm>>
      %dma_wait3A_16 = arith.constant 0 : i32
      %dma_wait3A_17 = tpu.memref_slice %arg2[%mul3A_2, %dma_wait3A_16] : memref<16384x64xf32, #tpu.memory_space<hbm>> -> memref<512x64xf32, #tpu.memory_space<hbm>>
      tpu.wait_dma2 semaphore(%run_scoped3A : memref<!tpu.dma_semaphore, #tpu.memory_space<semaphore_mem>>) src(%dma_wait3A_17 : memref<512x64xf32, #tpu.memory_space<hbm>>) dst(%arg5 : memref<512x64xf32, #tpu.memory_space<vmem>>)
      tpu.yield
    }) : () -> ()
    %scan3A = arith.constant 0 : i32
    %scan3A_3 = arith.constant 512 : i32
    %scan3A_4 = arith.addi %scan3A, %scan3A_3 : i32
    %scan3A_5 = arith.constant 1 : i32
    scf.for %scan3A_12 = %scan3A to %scan3A_4 step %scan3A_5  : i32 {
      %get3A = arith.index_cast %scan3A_12 : i32 to index
      %get3A_13 = arith.constant 0 : index
      %get3A_14 = tpu.vector_load %arg5[%get3A, %get3A_13] {strides = array<i32>} : memref<512x64xf32, #tpu.memory_space<vmem>>, vector<16xf32>,
      %mul3A_15 = arith.constant 65 : i32
      %mul3A_16 = arith.muli %scan3A_12, %mul3A_15 : i32
      %add3A_17 = arith.constant 0 : i32
      %add3A_18 = arith.addi %mul3A_16, %add3A_17 : i32
      %swap3A = arith.index_cast %add3A_18 : i32 to index
      %swap3A_19 = tpu.vector_load %arg6[%swap3A] {strides = array<i32>} : memref<33280xf32, #tpu.memory_space<vmem>>, vector<16xf32>,
      tpu.vector_store %arg6[%swap3A], %get3A_14 {strides = array<i32>} : memref<33280xf32, #tpu.memory_space<vmem>>, vector<16xf32>,
      %get3A_20 = arith.index_cast %scan3A_12 : i32 to index
      %get3A_21 = arith.constant 16 : index
      %get3A_22 = tpu.vector_load %arg5[%get3A_20, %get3A_21] {strides = array<i32>} : memref<512x64xf32, #tpu.memory_space<vmem>>, vector<16xf32>,
      %mul3A_23 = arith.constant 65 : i32
      %mul3A_24 = arith.muli %scan3A_12, %mul3A_23 : i32
      %add3A_25 = arith.constant 16 : i32
      %add3A_26 = arith.addi %mul3A_24, %add3A_25 : i32
      %swap3A_27 = arith.index_cast %add3A_26 : i32 to index
      %swap3A_28 = tpu.vector_load %arg6[%swap3A_27] {strides = array<i32>} : memref<33280xf32, #tpu.memory_space<vmem>>, vector<16xf32>,
      tpu.vector_store %arg6[%swap3A_27], %get3A_22 {strides = array<i32>} : memref<33280xf32, #tpu.memory_space<vmem>>, vector<16xf32>,
      %get3A_29 = arith.index_cast %scan3A_12 : i32 to index
      %get3A_30 = arith.constant 32 : index
      %get3A_31 = tpu.vector_load %arg5[%get3A_29, %get3A_30] {strides = array<i32>} : memref<512x64xf32, #tpu.memory_space<vmem>>, vector<16xf32>,
      %mul3A_32 = arith.constant 65 : i32
      %mul3A_33 = arith.muli %scan3A_12, %mul3A_32 : i32
      %add3A_34 = arith.constant 32 : i32
      %add3A_35 = arith.addi %mul3A_33, %add3A_34 : i32
      %swap3A_36 = arith.index_cast %add3A_35 : i32 to index
      %swap3A_37 = tpu.vector_load %arg6[%swap3A_36] {strides = array<i32>} : memref<33280xf32, #tpu.memory_space<vmem>>, vector<16xf32>,
      tpu.vector_store %arg6[%swap3A_36], %get3A_31 {strides = array<i32>} : memref<33280xf32, #tpu.memory_space<vmem>>, vector<16xf32>,
      %get3A_38 = arith.index_cast %scan3A_12 : i32 to index
      %get3A_39 = arith.constant 48 : index
      %get3A_40 = tpu.vector_load %arg5[%get3A_38, %get3A_39] {strides = array<i32>} : memref<512x64xf32, #tpu.memory_space<vmem>>, vector<16xf32>,
      %mul3A_41 = arith.constant 65 : i32
      %mul3A_42 = arith.muli %scan3A_12, %mul3A_41 : i32
      %add3A_43 = arith.constant 48 : i32
      %add3A_44 = arith.addi %mul3A_42, %add3A_43 : i32
      %swap3A_45 = arith.index_cast %add3A_44 : i32 to index
      %swap3A_46 = tpu.vector_load %arg6[%swap3A_45] {strides = array<i32>} : memref<33280xf32, #tpu.memory_space<vmem>>, vector<16xf32>,
      tpu.vector_store %arg6[%swap3A_45], %get3A_40 {strides = array<i32>} : memref<33280xf32, #tpu.memory_space<vmem>>, vector<16xf32>,
    }
    %scan3A_6 = arith.constant 512 : i32
    %scan3A_7 = arith.constant 0 : i32
    %scan3A_8 = arith.constant 32 : i32
    %scan3A_9 = arith.addi %scan3A_7, %scan3A_8 : i32
    %scan3A_10 = arith.constant 1 : i32
    scf.for %scan3A_12 = %scan3A_7 to %scan3A_9 step %scan3A_10  : i32 {
      %mul3A_13 = arith.constant 16 : i32
      %mul3A_14 = arith.muli %scan3A_12, %mul3A_13 : i32
      %add3A_15 = vector.broadcast %mul3A_14 : i32 to vector<16xi32>
      %add3A_16 = arith.addi %add3A_15, %iota3A : vector<16xi32>
      %mul3A_17 = arith.constant 65 : i32
      %mul3A_18 = vector.broadcast %mul3A_17 : i32 to vector<16xi32>
      %mul3A_19 = arith.muli %add3A_16, %mul3A_18 : vector<16xi32>
      %add3A_20 = arith.constant 0 : i32
      %add3A_21 = vector.broadcast %add3A_20 : i32 to vector<16xi32>
      %add3A_22 = arith.addi %mul3A_19, %add3A_21 : vector<16xi32>
      %gather3A = tpu.vector_load_idx %arg6[%add3A_22] : memref<33280xf32, #tpu.memory_space<vmem>>[vector<16xi32>], vector<16xf32>,
      %bitcast3A = vector.bitcast %gather3A : vector<16xf32> to vector<16xi32>
      %and3A = arith.constant -64 : i32
      %and3A_23 = vector.broadcast %and3A : i32 to vector<16xi32>
      %and3A_24 = arith.andi %bitcast3A, %and3A_23 : vector<16xi32>
      %or3A = arith.constant 63 : i32
      %or3A_25 = vector.broadcast %or3A : i32 to vector<16xi32>
      %or3A_26 = arith.ori %and3A_24, %or3A_25 : vector<16xi32>
      %bitcast3A_27 = vector.bitcast %or3A_26 : vector<16xi32> to vector<16xf32>
      %add3A_28 = arith.constant 1 : i32
      %add3A_29 = vector.broadcast %add3A_28 : i32 to vector<16xi32>
      %add3A_30 = arith.addi %mul3A_19, %add3A_29 : vector<16xi32>
      %gather3A_31 = tpu.vector_load_idx %arg6[%add3A_30] : memref<33280xf32, #tpu.memory_space<vmem>>[vector<16xi32>], vector<16xf32>,
      %bitcast3A_32 = vector.bitcast %gather3A_31 : vector<16xf32> to vector<16xi32>
      %and3A_33 = arith.constant -64 : i32
      %and3A_34 = vector.broadcast %and3A_33 : i32 to vector<16xi32>
      %and3A_35 = arith.andi %bitcast3A_32, %and3A_34 : vector<16xi32>
      %or3A_36 = arith.constant 62 : i32
      %or3A_37 = vector.broadcast %or3A_36 : i32 to vector<16xi32>
      %or3A_38 = arith.ori %and3A_35, %or3A_37 : vector<16xi32>
      %bitcast3A_39 = vector.bitcast %or3A_38 : vector<16xi32> to vector<16xf32>
      %add3A_40 = arith.constant 2 : i32
      %add3A_41 = vector.broadcast %add3A_40 : i32 to vector<16xi32>
      %add3A_42 = arith.addi %mul3A_19, %add3A_41 : vector<16xi32>
      %gather3A_43 = tpu.vector_load_idx %arg6[%add3A_42] : memref<33280xf32, #tpu.memory_space<vmem>>[vector<16xi32>], vector<16xf32>,
      %bitcast3A_44 = vector.bitcast %gather3A_43 : vector<16xf32> to vector<16xi32>
      %and3A_45 = arith.constant -64 : i32
      %and3A_46 = vector.broadcast %and3A_45 : i32 to vector<16xi32>
      %and3A_47 = arith.andi %bitcast3A_44, %and3A_46 : vector<16xi32>
      %or3A_48 = arith.constant 61 : i32
      %or3A_49 = vector.broadcast %or3A_48 : i32 to vector<16xi32>
      %or3A_50 = arith.ori %and3A_47, %or3A_49 : vector<16xi32>
      %bitcast3A_51 = vector.bitcast %or3A_50 : vector<16xi32> to vector<16xf32>
      %add3A_52 = arith.constant 3 : i32
      %add3A_53 = vector.broadcast %add3A_52 : i32 to vector<16xi32>
      %add3A_54 = arith.addi %mul3A_19, %add3A_53 : vector<16xi32>
      %gather3A_55 = tpu.vector_load_idx %arg6[%add3A_54] : memref<33280xf32, #tpu.memory_space<vmem>>[vector<16xi32>], vector<16xf32>,
      %bitcast3A_56 = vector.bitcast %gather3A_55 : vector<16xf32> to vector<16xi32>
      %and3A_57 = arith.constant -64 : i32
      %and3A_58 = vector.broadcast %and3A_57 : i32 to vector<16xi32>
      %and3A_59 = arith.andi %bitcast3A_56, %and3A_58 : vector<16xi32>
      %or3A_60 = arith.constant 60 : i32
      %or3A_61 = vector.broadcast %or3A_60 : i32 to vector<16xi32>
      %or3A_62 = arith.ori %and3A_59, %or3A_61 : vector<16xi32>
      %bitcast3A_63 = vector.bitcast %or3A_62 : vector<16xi32> to vector<16xf32>
      %add3A_64 = arith.constant 4 : i32
      %add3A_65 = vector.broadcast %add3A_64 : i32 to vector<16xi32>
      %add3A_66 = arith.addi %mul3A_19, %add3A_65 : vector<16xi32>
      %gather3A_67 = tpu.vector_load_idx %arg6[%add3A_66] : memref<33280xf32, #tpu.memory_space<vmem>>[vector<16xi32>], vector<16xf32>,
      %bitcast3A_68 = vector.bitcast %gather3A_67 : vector<16xf32> to vector<16xi32>
      %and3A_69 = arith.constant -64 : i32
      %and3A_70 = vector.broadcast %and3A_69 : i32 to vector<16xi32>
      %and3A_71 = arith.andi %bitcast3A_68, %and3A_70 : vector<16xi32>
      %or3A_72 = arith.constant 59 : i32
      %or3A_73 = vector.broadcast %or3A_72 : i32 to vector<16xi32>
      %or3A_74 = arith.ori %and3A_71, %or3A_73 : vector<16xi32>
      %bitcast3A_75 = vector.bitcast %or3A_74 : vector<16xi32> to vector<16xf32>
      %add3A_76 = arith.constant 5 : i32
      %add3A_77 = vector.broadcast %add3A_76 : i32 to vector<16xi32>
      %add3A_78 = arith.addi %mul3A_19, %add3A_77 : vector<16xi32>
      %gather3A_79 = tpu.vector_load_idx %arg6[%add3A_78] : memref<33280xf32, #tpu.memory_space<vmem>>[vector<16xi32>], vector<16xf32>,
      %bitcast3A_80 = vector.bitcast %gather3A_79 : vector<16xf32> to vector<16xi32>
      %and3A_81 = arith.constant -64 : i32
      %and3A_82 = vector.broadcast %and3A_81 : i32 to vector<16xi32>
      %and3A_83 = arith.andi %bitcast3A_80, %and3A_82 : vector<16xi32>
      %or3A_84 = arith.constant 58 : i32
      %or3A_85 = vector.broadcast %or3A_84 : i32 to vector<16xi32>
      %or3A_86 = arith.ori %and3A_83, %or3A_85 : vector<16xi32>
      %bitcast3A_87 = vector.bitcast %or3A_86 : vector<16xi32> to vector<16xf32>
      %add3A_88 = arith.constant 6 : i32
      %add3A_89 = vector.broadcast %add3A_88 : i32 to vector<16xi32>
      %add3A_90 = arith.addi %mul3A_19, %add3A_89 : vector<16xi32>
      %gather3A_91 = tpu.vector_load_idx %arg6[%add3A_90] : memref<33280xf32, #tpu.memory_space<vmem>>[vector<16xi32>], vector<16xf32>,
      %bitcast3A_92 = vector.bitcast %gather3A_91 : vector<16xf32> to vector<16xi32>
      %and3A_93 = arith.constant -64 : i32
      %and3A_94 = vector.broadcast %and3A_93 : i32 to vector<16xi32>
      %and3A_95 = arith.andi %bitcast3A_92, %and3A_94 : vector<16xi32>
      %or3A_96 = arith.constant 57 : i32
      %or3A_97 = vector.broadcast %or3A_96 : i32 to vector<16xi32>
      %or3A_98 = arith.ori %and3A_95, %or3A_97 : vector<16xi32>
      %bitcast3A_99 = vector.bitcast %or3A_98 : vector<16xi32> to vector<16xf32>
      %add3A_100 = arith.constant 7 : i32
      %add3A_101 = vector.broadcast %add3A_100 : i32 to vector<16xi32>
      %add3A_102 = arith.addi %mul3A_19, %add3A_101 : vector<16xi32>
      %gather3A_103 = tpu.vector_load_idx %arg6[%add3A_102] : memref<33280xf32, #tpu.memory_space<vmem>>[vector<16xi32>], vector<16xf32>,
      %bitcast3A_104 = vector.bitcast %gather3A_103 : vector<16xf32> to vector<16xi32>
      %and3A_105 = arith.constant -64 : i32
      %and3A_106 = vector.broadcast %and3A_105 : i32 to vector<16xi32>
      %and3A_107 = arith.andi %bitcast3A_104, %and3A_106 : vector<16xi32>
      %or3A_108 = arith.constant 56 : i32
      %or3A_109 = vector.broadcast %or3A_108 : i32 to vector<16xi32>
      %or3A_110 = arith.ori %and3A_107, %or3A_109 : vector<16xi32>
      %bitcast3A_111 = vector.bitcast %or3A_110 : vector<16xi32> to vector<16xf32>
      %max3A = arith.maximumf %bitcast3A_27, %bitcast3A_39 : vector<16xf32>
      %min3A = arith.minimumf %bitcast3A_27, %bitcast3A_39 : vector<16xf32>
      %max3A_112 = arith.maximumf %bitcast3A_51, %bitcast3A_63 : vector<16xf32>
      %min3A_113 = arith.minimumf %bitcast3A_51, %bitcast3A_63 : vector<16xf32>
      %max3A_114 = arith.maximumf %bitcast3A_75, %bitcast3A_87 : vector<16xf32>
      %min3A_115 = arith.minimumf %bitcast3A_75, %bitcast3A_87 : vector<16xf32>
      %max3A_116 = arith.maximumf %bitcast3A_99, %bitcast3A_111 : vector<16xf32>
      %min3A_117 = arith.minimumf %bitcast3A_99, %bitcast3A_111 : vector<16xf32>
      %max3A_118 = arith.maximumf %max3A, %max3A_112 : vector<16xf32>
      %min3A_119 = arith.minimumf %max3A, %max3A_112 : vector<16xf32>
      %max3A_120 = arith.maximumf %min3A, %min3A_113 : vector<16xf32>
      %min3A_121 = arith.minimumf %min3A, %min3A_113 : vector<16xf32>
      %max3A_122 = arith.maximumf %max3A_114, %max3A_116 : vector<16xf32>
      %min3A_123 = arith.minimumf %max3A_114, %max3A_116 : vector<16xf32>
      %max3A_124 = arith.maximumf %min3A_115, %min3A_117 : vector<16xf32>
      %min3A_125 = arith.minimumf %min3A_115, %min3A_117 : vector<16xf32>
      %max3A_126 = arith.maximumf %max3A_120, %min3A_119 : vector<16xf32>
      %min3A_127 = arith.minimumf %max3A_120, %min3A_119 : vector<16xf32>
      %max3A_128 = arith.maximumf %max3A_124, %min3A_123 : vector<16xf32>
      %min3A_129 = arith.minimumf %max3A_124, %min3A_123 : vector<16xf32>
      %max3A_130 = arith.maximumf %max3A_118, %max3A_122 : vector<16xf32>
      %min3A_131 = arith.minimumf %max3A_118, %max3A_122 : vector<16xf32>
      %max3A_132 = arith.maximumf %max3A_126, %max3A_128 : vector<16xf32>
      %min3A_133 = arith.minimumf %max3A_126, %max3A_128 : vector<16xf32>
      %max3A_134 = arith.maximumf %min3A_127, %min3A_129 : vector<16xf32>
      %min3A_135 = arith.minimumf %min3A_127, %min3A_129 : vector<16xf32>
      %max3A_136 = arith.maximumf %min3A_121, %min3A_125 : vector<16xf32>
      %min3A_137 = arith.minimumf %min3A_121, %min3A_125 : vector<16xf32>
      %max3A_138 = arith.maximumf %max3A_134, %min3A_131 : vector<16xf32>
      %min3A_139 = arith.minimumf %max3A_134, %min3A_131 : vector<16xf32>
      %max3A_140 = arith.maximumf %max3A_136, %min3A_133 : vector<16xf32>
      %min3A_141 = arith.minimumf %max3A_136, %min3A_133 : vector<16xf32>
      %max3A_142 = arith.maximumf %max3A_132, %max3A_138 : vector<16xf32>
      %min3A_143 = arith.minimumf %max3A_132, %max3A_138 : vector<16xf32>
      %max3A_144 = arith.maximumf %max3A_140, %min3A_139 : vector<16xf32>
      %min3A_145 = arith.minimumf %max3A_140, %min3A_139 : vector<16xf32>
      %max3A_146 = arith.maximumf %min3A_141, %min3A_135 : vector<16xf32>
      %min3A_147 = arith.minimumf %min3A_141, %min3A_135 : vector<16xf32>
      %add3A_148 = arith.constant 8 : i32
      %add3A_149 = vector.broadcast %add3A_148 : i32 to vector<16xi32>
      %add3A_150 = arith.addi %mul3A_19, %add3A_149 : vector<16xi32>
      %gather3A_151 = tpu.vector_load_idx %arg6[%add3A_150] : memref<33280xf32, #tpu.memory_space<vmem>>[vector<16xi32>], vector<16xf32>,
      %bitcast3A_152 = vector.bitcast %gather3A_151 : vector<16xf32> to vector<16xi32>
      %and3A_153 = arith.constant -64 : i32
      %and3A_154 = vector.broadcast %and3A_153 : i32 to vector<16xi32>
      %and3A_155 = arith.andi %bitcast3A_152, %and3A_154 : vector<16xi32>
      %or3A_156 = arith.constant 55 : i32
      %or3A_157 = vector.broadcast %or3A_156 : i32 to vector<16xi32>
      %or3A_158 = arith.ori %and3A_155, %or3A_157 : vector<16xi32>
      %bitcast3A_159 = vector.bitcast %or3A_158 : vector<16xi32> to vector<16xf32>
      %add3A_160 = arith.constant 9 : i32
      %add3A_161 = vector.broadcast %add3A_160 : i32 to vector<16xi32>
      %add3A_162 = arith.addi %mul3A_19, %add3A_161 : vector<16xi32>
      %gather3A_163 = tpu.vector_load_idx %arg6[%add3A_162] : memref<33280xf32, #tpu.memory_space<vmem>>[vector<16xi32>], vector<16xf32>,
      %bitcast3A_164 = vector.bitcast %gather3A_163 : vector<16xf32> to vector<16xi32>
      %and3A_165 = arith.constant -64 : i32
      %and3A_166 = vector.broadcast %and3A_165 : i32 to vector<16xi32>
      %and3A_167 = arith.andi %bitcast3A_164, %and3A_166 : vector<16xi32>
      %or3A_168 = arith.constant 54 : i32
      %or3A_169 = vector.broadcast %or3A_168 : i32 to vector<16xi32>
      %or3A_170 = arith.ori %and3A_167, %or3A_169 : vector<16xi32>
      %bitcast3A_171 = vector.bitcast %or3A_170 : vector<16xi32> to vector<16xf32>
      %add3A_172 = arith.constant 10 : i32
      %add3A_173 = vector.broadcast %add3A_172 : i32 to vector<16xi32>
      %add3A_174 = arith.addi %mul3A_19, %add3A_173 : vector<16xi32>
      %gather3A_175 = tpu.vector_load_idx %arg6[%add3A_174] : memref<33280xf32, #tpu.memory_space<vmem>>[vector<16xi32>], vector<16xf32>,
      %bitcast3A_176 = vector.bitcast %gather3A_175 : vector<16xf32> to vector<16xi32>
      %and3A_177 = arith.constant -64 : i32
      %and3A_178 = vector.broadcast %and3A_177 : i32 to vector<16xi32>
      %and3A_179 = arith.andi %bitcast3A_176, %and3A_178 : vector<16xi32>
      %or3A_180 = arith.constant 53 : i32
      %or3A_181 = vector.broadcast %or3A_180 : i32 to vector<16xi32>
      %or3A_182 = arith.ori %and3A_179, %or3A_181 : vector<16xi32>
      %bitcast3A_183 = vector.bitcast %or3A_182 : vector<16xi32> to vector<16xf32>
      %add3A_184 = arith.constant 11 : i32
      %add3A_185 = vector.broadcast %add3A_184 : i32 to vector<16xi32>
      %add3A_186 = arith.addi %mul3A_19, %add3A_185 : vector<16xi32>
      %gather3A_187 = tpu.vector_load_idx %arg6[%add3A_186] : memref<33280xf32, #tpu.memory_space<vmem>>[vector<16xi32>], vector<16xf32>,
      %bitcast3A_188 = vector.bitcast %gather3A_187 : vector<16xf32> to vector<16xi32>
      %and3A_189 = arith.constant -64 : i32
      %and3A_190 = vector.broadcast %and3A_189 : i32 to vector<16xi32>
      %and3A_191 = arith.andi %bitcast3A_188, %and3A_190 : vector<16xi32>
      %or3A_192 = arith.constant 52 : i32
      %or3A_193 = vector.broadcast %or3A_192 : i32 to vector<16xi32>
      %or3A_194 = arith.ori %and3A_191, %or3A_193 : vector<16xi32>
      %bitcast3A_195 = vector.bitcast %or3A_194 : vector<16xi32> to vector<16xf32>
      %add3A_196 = arith.constant 12 : i32
      %add3A_197 = vector.broadcast %add3A_196 : i32 to vector<16xi32>
      %add3A_198 = arith.addi %mul3A_19, %add3A_197 : vector<16xi32>
      %gather3A_199 = tpu.vector_load_idx %arg6[%add3A_198] : memref<33280xf32, #tpu.memory_space<vmem>>[vector<16xi32>], vector<16xf32>,
      %bitcast3A_200 = vector.bitcast %gather3A_199 : vector<16xf32> to vector<16xi32>
      %and3A_201 = arith.constant -64 : i32
      %and3A_202 = vector.broadcast %and3A_201 : i32 to vector<16xi32>
      %and3A_203 = arith.andi %bitcast3A_200, %and3A_202 : vector<16xi32>
      %or3A_204 = arith.constant 51 : i32
      %or3A_205 = vector.broadcast %or3A_204 : i32 to vector<16xi32>
      %or3A_206 = arith.ori %and3A_203, %or3A_205 : vector<16xi32>
      %bitcast3A_207 = vector.bitcast %or3A_206 : vector<16xi32> to vector<16xf32>
      %add3A_208 = arith.constant 13 : i32
      %add3A_209 = vector.broadcast %add3A_208 : i32 to vector<16xi32>
      %add3A_210 = arith.addi %mul3A_19, %add3A_209 : vector<16xi32>
      %gather3A_211 = tpu.vector_load_idx %arg6[%add3A_210] : memref<33280xf32, #tpu.memory_space<vmem>>[vector<16xi32>], vector<16xf32>,
      %bitcast3A_212 = vector.bitcast %gather3A_211 : vector<16xf32> to vector<16xi32>
      %and3A_213 = arith.constant -64 : i32
      %and3A_214 = vector.broadcast %and3A_213 : i32 to vector<16xi32>
      %and3A_215 = arith.andi %bitcast3A_212, %and3A_214 : vector<16xi32>
      %or3A_216 = arith.constant 50 : i32
      %or3A_217 = vector.broadcast %or3A_216 : i32 to vector<16xi32>
      %or3A_218 = arith.ori %and3A_215, %or3A_217 : vector<16xi32>
      %bitcast3A_219 = vector.bitcast %or3A_218 : vector<16xi32> to vector<16xf32>
      %add3A_220 = arith.constant 14 : i32
      %add3A_221 = vector.broadcast %add3A_220 : i32 to vector<16xi32>
      %add3A_222 = arith.addi %mul3A_19, %add3A_221 : vector<16xi32>
      %gather3A_223 = tpu.vector_load_idx %arg6[%add3A_222] : memref<33280xf32, #tpu.memory_space<vmem>>[vector<16xi32>], vector<16xf32>,
      %bitcast3A_224 = vector.bitcast %gather3A_223 : vector<16xf32> to vector<16xi32>
      %and3A_225 = arith.constant -64 : i32
      %and3A_226 = vector.broadcast %and3A_225 : i32 to vector<16xi32>
      %and3A_227 = arith.andi %bitcast3A_224, %and3A_226 : vector<16xi32>
      %or3A_228 = arith.constant 49 : i32
      %or3A_229 = vector.broadcast %or3A_228 : i32 to vector<16xi32>
      %or3A_230 = arith.ori %and3A_227, %or3A_229 : vector<16xi32>
      %bitcast3A_231 = vector.bitcast %or3A_230 : vector<16xi32> to vector<16xf32>
      %add3A_232 = arith.constant 15 : i32
      %add3A_233 = vector.broadcast %add3A_232 : i32 to vector<16xi32>
      %add3A_234 = arith.addi %mul3A_19, %add3A_233 : vector<16xi32>
      %gather3A_235 = tpu.vector_load_idx %arg6[%add3A_234] : memref<33280xf32, #tpu.memory_space<vmem>>[vector<16xi32>], vector<16xf32>,
      %bitcast3A_236 = vector.bitcast %gather3A_235 : vector<16xf32> to vector<16xi32>
      %and3A_237 = arith.constant -64 : i32
      %and3A_238 = vector.broadcast %and3A_237 : i32 to vector<16xi32>
      %and3A_239 = arith.andi %bitcast3A_236, %and3A_238 : vector<16xi32>
      %or3A_240 = arith.constant 48 : i32
      %or3A_241 = vector.broadcast %or3A_240 : i32 to vector<16xi32>
      %or3A_242 = arith.ori %and3A_239, %or3A_241 : vector<16xi32>
      %bitcast3A_243 = vector.bitcast %or3A_242 : vector<16xi32> to vector<16xf32>
      %max3A_244 = arith.maximumf %bitcast3A_159, %bitcast3A_171 : vector<16xf32>
      %min3A_245 = arith.minimumf %bitcast3A_159, %bitcast3A_171 : vector<16xf32>
      %max3A_246 = arith.maximumf %bitcast3A_183, %bitcast3A_195 : vector<16xf32>
      %min3A_247 = arith.minimumf %bitcast3A_183, %bitcast3A_195 : vector<16xf32>
      %max3A_248 = arith.maximumf %bitcast3A_207, %bitcast3A_219 : vector<16xf32>
      %min3A_249 = arith.minimumf %bitcast3A_207, %bitcast3A_219 : vector<16xf32>
      %max3A_250 = arith.maximumf %bitcast3A_231, %bitcast3A_243 : vector<16xf32>
      %min3A_251 = arith.minimumf %bitcast3A_231, %bitcast3A_243 : vector<16xf32>
      %max3A_252 = arith.maximumf %max3A_244, %max3A_246 : vector<16xf32>
      %min3A_253 = arith.minimumf %max3A_244, %max3A_246 : vector<16xf32>
      %max3A_254 = arith.maximumf %min3A_245, %min3A_247 : vector<16xf32>
      %min3A_255 = arith.minimumf %min3A_245, %min3A_247 : vector<16xf32>
      %max3A_256 = arith.maximumf %max3A_248, %max3A_250 : vector<16xf32>
      %min3A_257 = arith.minimumf %max3A_248, %max3A_250 : vector<16xf32>
      %max3A_258 = arith.maximumf %min3A_249, %min3A_251 : vector<16xf32>
      %min3A_259 = arith.minimumf %min3A_249, %min3A_251 : vector<16xf32>
      %max3A_260 = arith.maximumf %max3A_254, %min3A_253 : vector<16xf32>
      %min3A_261 = arith.minimumf %max3A_254, %min3A_253 : vector<16xf32>
      %max3A_262 = arith.maximumf %max3A_258, %min3A_257 : vector<16xf32>
      %min3A_263 = arith.minimumf %max3A_258, %min3A_257 : vector<16xf32>
      %max3A_264 = arith.maximumf %max3A_252, %max3A_256 : vector<16xf32>
      %min3A_265 = arith.minimumf %max3A_252, %max3A_256 : vector<16xf32>
      %max3A_266 = arith.maximumf %max3A_260, %max3A_262 : vector<16xf32>
      %min3A_267 = arith.minimumf %max3A_260, %max3A_262 : vector<16xf32>
      %max3A_268 = arith.maximumf %min3A_261, %min3A_263 : vector<16xf32>
      %min3A_269 = arith.minimumf %min3A_261, %min3A_263 : vector<16xf32>
      %max3A_270 = arith.maximumf %min3A_255, %min3A_259 : vector<16xf32>
      %min3A_271 = arith.minimumf %min3A_255, %min3A_259 : vector<16xf32>
      %max3A_272 = arith.maximumf %max3A_268, %min3A_265 : vector<16xf32>
      %min3A_273 = arith.minimumf %max3A_268, %min3A_265 : vector<16xf32>
      %max3A_274 = arith.maximumf %max3A_270, %min3A_267 : vector<16xf32>
      %min3A_275 = arith.minimumf %max3A_270, %min3A_267 : vector<16xf32>
      %max3A_276 = arith.maximumf %max3A_266, %max3A_272 : vector<16xf32>
      %min3A_277 = arith.minimumf %max3A_266, %max3A_272 : vector<16xf32>
      %max3A_278 = arith.maximumf %max3A_274, %min3A_273 : vector<16xf32>
      %min3A_279 = arith.minimumf %max3A_274, %min3A_273 : vector<16xf32>
      %max3A_280 = arith.maximumf %min3A_275, %min3A_269 : vector<16xf32>
      %min3A_281 = arith.minimumf %min3A_275, %min3A_269 : vector<16xf32>
      %max3A_282 = arith.maximumf %max3A_130, %min3A_271 : vector<16xf32>
      %max3A_283 = arith.maximumf %max3A_142, %min3A_281 : vector<16xf32>
      %max3A_284 = arith.maximumf %min3A_143, %max3A_280 : vector<16xf32>
      %max3A_285 = arith.maximumf %max3A_144, %min3A_279 : vector<16xf32>
      %max3A_286 = arith.maximumf %min3A_145, %max3A_278 : vector<16xf32>
      %max3A_287 = arith.maximumf %max3A_146, %min3A_277 : vector<16xf32>
      %max3A_288 = arith.maximumf %min3A_147, %max3A_276 : vector<16xf32>
      %max3A_289 = arith.maximumf %min3A_137, %max3A_264 : vector<16xf32>
      %max3A_290 = arith.maximumf %max3A_282, %max3A_286 : vector<16xf32>
      %min3A_291 = arith.minimumf %max3A_282, %max3A_286 : vector<16xf32>
      %max3A_292 = arith.maximumf %max3A_283, %max3A_287 : vector<16xf32>
      %min3A_293 = arith.minimumf %max3A_283, %max3A_287 : vector<16xf32>
      %max3A_294 = arith.maximumf %max3A_284, %max3A_288 : vector<16xf32>
      %min3A_295 = arith.minimumf %max3A_284, %max3A_288 : vector<16xf32>
      %max3A_296 = arith.maximumf %max3A_285, %max3A_289 : vector<16xf32>
      %min3A_297 = arith.minimumf %max3A_285, %max3A_289 : vector<16xf32>
      %max3A_298 = arith.maximumf %max3A_290, %max3A_294 : vector<16xf32>
      %min3A_299 = arith.minimumf %max3A_290, %max3A_294 : vector<16xf32>
      %max3A_300 = arith.maximumf %max3A_292, %max3A_296 : vector<16xf32>
      %min3A_301 = arith.minimumf %max3A_292, %max3A_296 : vector<16xf32>
      %max3A_302 = arith.maximumf %min3A_291, %min3A_295 : vector<16xf32>
      %min3A_303 = arith.minimumf %min3A_291, %min3A_295 : vector<16xf32>
      %max3A_304 = arith.maximumf %min3A_293, %min3A_297 : vector<16xf32>
      %min3A_305 = arith.minimumf %min3A_293, %min3A_297 : vector<16xf32>
      %max3A_306 = arith.maximumf %max3A_298, %max3A_300 : vector<16xf32>
      %min3A_307 = arith.minimumf %max3A_298, %max3A_300 : vector<16xf32>
      %max3A_308 = arith.maximumf %min3A_299, %min3A_301 : vector<16xf32>
      %min3A_309 = arith.minimumf %min3A_299, %min3A_301 : vector<16xf32>
      %max3A_310 = arith.maximumf %max3A_302, %max3A_304 : vector<16xf32>
      %min3A_311 = arith.minimumf %max3A_302, %max3A_304 : vector<16xf32>
      %max3A_312 = arith.maximumf %min3A_303, %min3A_305 : vector<16xf32>
      %min3A_313 = arith.minimumf %min3A_303, %min3A_305 : vector<16xf32>
      %add3A_314 = arith.constant 16 : i32
      %add3A_315 = vector.broadcast %add3A_314 : i32 to vector<16xi32>
      %add3A_316 = arith.addi %mul3A_19, %add3A_315 : vector<16xi32>
      %gather3A_317 = tpu.vector_load_idx %arg6[%add3A_316] : memref<33280xf32, #tpu.memory_space<vmem>>[vector<16xi32>], vector<16xf32>,
      %bitcast3A_318 = vector.bitcast %gather3A_317 : vector<16xf32> to vector<16xi32>
      %and3A_319 = arith.constant -64 : i32
      %and3A_320 = vector.broadcast %and3A_319 : i32 to vector<16xi32>
      %and3A_321 = arith.andi %bitcast3A_318, %and3A_320 : vector<16xi32>
      %or3A_322 = arith.constant 47 : i32
      %or3A_323 = vector.broadcast %or3A_322 : i32 to vector<16xi32>
      %or3A_324 = arith.ori %and3A_321, %or3A_323 : vector<16xi32>
      %bitcast3A_325 = vector.bitcast %or3A_324 : vector<16xi32> to vector<16xf32>
      %add3A_326 = arith.constant 17 : i32
      %add3A_327 = vector.broadcast %add3A_326 : i32 to vector<16xi32>
      %add3A_328 = arith.addi %mul3A_19, %add3A_327 : vector<16xi32>
      %gather3A_329 = tpu.vector_load_idx %arg6[%add3A_328] : memref<33280xf32, #tpu.memory_space<vmem>>[vector<16xi32>], vector<16xf32>,
      %bitcast3A_330 = vector.bitcast %gather3A_329 : vector<16xf32> to vector<16xi32>
      %and3A_331 = arith.constant -64 : i32
      %and3A_332 = vector.broadcast %and3A_331 : i32 to vector<16xi32>
      %and3A_333 = arith.andi %bitcast3A_330, %and3A_332 : vector<16xi32>
      %or3A_334 = arith.constant 46 : i32
      %or3A_335 = vector.broadcast %or3A_334 : i32 to vector<16xi32>
      %or3A_336 = arith.ori %and3A_333, %or3A_335 : vector<16xi32>
      %bitcast3A_337 = vector.bitcast %or3A_336 : vector<16xi32> to vector<16xf32>
      %add3A_338 = arith.constant 18 : i32
      %add3A_339 = vector.broadcast %add3A_338 : i32 to vector<16xi32>
      %add3A_340 = arith.addi %mul3A_19, %add3A_339 : vector<16xi32>
      %gather3A_341 = tpu.vector_load_idx %arg6[%add3A_340] : memref<33280xf32, #tpu.memory_space<vmem>>[vector<16xi32>], vector<16xf32>,
      %bitcast3A_342 = vector.bitcast %gather3A_341 : vector<16xf32> to vector<16xi32>
      %and3A_343 = arith.constant -64 : i32
      %and3A_344 = vector.broadcast %and3A_343 : i32 to vector<16xi32>
      %and3A_345 = arith.andi %bitcast3A_342, %and3A_344 : vector<16xi32>
      %or3A_346 = arith.constant 45 : i32
      %or3A_347 = vector.broadcast %or3A_346 : i32 to vector<16xi32>
      %or3A_348 = arith.ori %and3A_345, %or3A_347 : vector<16xi32>
      %bitcast3A_349 = vector.bitcast %or3A_348 : vector<16xi32> to vector<16xf32>
      %add3A_350 = arith.constant 19 : i32
      %add3A_351 = vector.broadcast %add3A_350 : i32 to vector<16xi32>
      %add3A_352 = arith.addi %mul3A_19, %add3A_351 : vector<16xi32>
      %gather3A_353 = tpu.vector_load_idx %arg6[%add3A_352] : memref<33280xf32, #tpu.memory_space<vmem>>[vector<16xi32>], vector<16xf32>,
      %bitcast3A_354 = vector.bitcast %gather3A_353 : vector<16xf32> to vector<16xi32>
      %and3A_355 = arith.constant -64 : i32
      %and3A_356 = vector.broadcast %and3A_355 : i32 to vector<16xi32>
      %and3A_357 = arith.andi %bitcast3A_354, %and3A_356 : vector<16xi32>
      %or3A_358 = arith.constant 44 : i32
      %or3A_359 = vector.broadcast %or3A_358 : i32 to vector<16xi32>
      %or3A_360 = arith.ori %and3A_357, %or3A_359 : vector<16xi32>
      %bitcast3A_361 = vector.bitcast %or3A_360 : vector<16xi32> to vector<16xf32>
      %add3A_362 = arith.constant 20 : i32
      %add3A_363 = vector.broadcast %add3A_362 : i32 to vector<16xi32>
      %add3A_364 = arith.addi %mul3A_19, %add3A_363 : vector<16xi32>
      %gather3A_365 = tpu.vector_load_idx %arg6[%add3A_364] : memref<33280xf32, #tpu.memory_space<vmem>>[vector<16xi32>], vector<16xf32>,
      %bitcast3A_366 = vector.bitcast %gather3A_365 : vector<16xf32> to vector<16xi32>
      %and3A_367 = arith.constant -64 : i32
      %and3A_368 = vector.broadcast %and3A_367 : i32 to vector<16xi32>
      %and3A_369 = arith.andi %bitcast3A_366, %and3A_368 : vector<16xi32>
      %or3A_370 = arith.constant 43 : i32
      %or3A_371 = vector.broadcast %or3A_370 : i32 to vector<16xi32>
      %or3A_372 = arith.ori %and3A_369, %or3A_371 : vector<16xi32>
      %bitcast3A_373 = vector.bitcast %or3A_372 : vector<16xi32> to vector<16xf32>
      %add3A_374 = arith.constant 21 : i32
      %add3A_375 = vector.broadcast %add3A_374 : i32 to vector<16xi32>
      %add3A_376 = arith.addi %mul3A_19, %add3A_375 : vector<16xi32>
      %gather3A_377 = tpu.vector_load_idx %arg6[%add3A_376] : memref<33280xf32, #tpu.memory_space<vmem>>[vector<16xi32>], vector<16xf32>,
      %bitcast3A_378 = vector.bitcast %gather3A_377 : vector<16xf32> to vector<16xi32>
      %and3A_379 = arith.constant -64 : i32
      %and3A_380 = vector.broadcast %and3A_379 : i32 to vector<16xi32>
      %and3A_381 = arith.andi %bitcast3A_378, %and3A_380 : vector<16xi32>
      %or3A_382 = arith.constant 42 : i32
      %or3A_383 = vector.broadcast %or3A_382 : i32 to vector<16xi32>
      %or3A_384 = arith.ori %and3A_381, %or3A_383 : vector<16xi32>
      %bitcast3A_385 = vector.bitcast %or3A_384 : vector<16xi32> to vector<16xf32>
      %add3A_386 = arith.constant 22 : i32
      %add3A_387 = vector.broadcast %add3A_386 : i32 to vector<16xi32>
      %add3A_388 = arith.addi %mul3A_19, %add3A_387 : vector<16xi32>
      %gather3A_389 = tpu.vector_load_idx %arg6[%add3A_388] : memref<33280xf32, #tpu.memory_space<vmem>>[vector<16xi32>], vector<16xf32>,
      %bitcast3A_390 = vector.bitcast %gather3A_389 : vector<16xf32> to vector<16xi32>
      %and3A_391 = arith.constant -64 : i32
      %and3A_392 = vector.broadcast %and3A_391 : i32 to vector<16xi32>
      %and3A_393 = arith.andi %bitcast3A_390, %and3A_392 : vector<16xi32>
      %or3A_394 = arith.constant 41 : i32
      %or3A_395 = vector.broadcast %or3A_394 : i32 to vector<16xi32>
      %or3A_396 = arith.ori %and3A_393, %or3A_395 : vector<16xi32>
      %bitcast3A_397 = vector.bitcast %or3A_396 : vector<16xi32> to vector<16xf32>
      %add3A_398 = arith.constant 23 : i32
      %add3A_399 = vector.broadcast %add3A_398 : i32 to vector<16xi32>
      %add3A_400 = arith.addi %mul3A_19, %add3A_399 : vector<16xi32>
      %gather3A_401 = tpu.vector_load_idx %arg6[%add3A_400] : memref<33280xf32, #tpu.memory_space<vmem>>[vector<16xi32>], vector<16xf32>,
      %bitcast3A_402 = vector.bitcast %gather3A_401 : vector<16xf32> to vector<16xi32>
      %and3A_403 = arith.constant -64 : i32
      %and3A_404 = vector.broadcast %and3A_403 : i32 to vector<16xi32>
      %and3A_405 = arith.andi %bitcast3A_402, %and3A_404 : vector<16xi32>
      %or3A_406 = arith.constant 40 : i32
      %or3A_407 = vector.broadcast %or3A_406 : i32 to vector<16xi32>
      %or3A_408 = arith.ori %and3A_405, %or3A_407 : vector<16xi32>
      %bitcast3A_409 = vector.bitcast %or3A_408 : vector<16xi32> to vector<16xf32>
      %max3A_410 = arith.maximumf %bitcast3A_325, %bitcast3A_337 : vector<16xf32>
      %min3A_411 = arith.minimumf %bitcast3A_325, %bitcast3A_337 : vector<16xf32>
      %max3A_412 = arith.maximumf %bitcast3A_349, %bitcast3A_361 : vector<16xf32>
      %min3A_413 = arith.minimumf %bitcast3A_349, %bitcast3A_361 : vector<16xf32>
      %max3A_414 = arith.maximumf %bitcast3A_373, %bitcast3A_385 : vector<16xf32>
      %min3A_415 = arith.minimumf %bitcast3A_373, %bitcast3A_385 : vector<16xf32>
      %max3A_416 = arith.maximumf %bitcast3A_397, %bitcast3A_409 : vector<16xf32>
      %min3A_417 = arith.minimumf %bitcast3A_397, %bitcast3A_409 : vector<16xf32>
      %max3A_418 = arith.maximumf %max3A_410, %max3A_412 : vector<16xf32>
      %min3A_419 = arith.minimumf %max3A_410, %max3A_412 : vector<16xf32>
      %max3A_420 = arith.maximumf %min3A_411, %min3A_413 : vector<16xf32>
      %min3A_421 = arith.minimumf %min3A_411, %min3A_413 : vector<16xf32>
      %max3A_422 = arith.maximumf %max3A_414, %max3A_416 : vector<16xf32>
      %min3A_423 = arith.minimumf %max3A_414, %max3A_416 : vector<16xf32>
      %max3A_424 = arith.maximumf %min3A_415, %min3A_417 : vector<16xf32>
      %min3A_425 = arith.minimumf %min3A_415, %min3A_417 : vector<16xf32>
      %max3A_426 = arith.maximumf %max3A_420, %min3A_419 : vector<16xf32>
      %min3A_427 = arith.minimumf %max3A_420, %min3A_419 : vector<16xf32>
      %max3A_428 = arith.maximumf %max3A_424, %min3A_423 : vector<16xf32>
      %min3A_429 = arith.minimumf %max3A_424, %min3A_423 : vector<16xf32>
      %max3A_430 = arith.maximumf %max3A_418, %max3A_422 : vector<16xf32>
      %min3A_431 = arith.minimumf %max3A_418, %max3A_422 : vector<16xf32>
      %max3A_432 = arith.maximumf %max3A_426, %max3A_428 : vector<16xf32>
      %min3A_433 = arith.minimumf %max3A_426, %max3A_428 : vector<16xf32>
      %max3A_434 = arith.maximumf %min3A_427, %min3A_429 : vector<16xf32>
      %min3A_435 = arith.minimumf %min3A_427, %min3A_429 : vector<16xf32>
      %max3A_436 = arith.maximumf %min3A_421, %min3A_425 : vector<16xf32>
      %min3A_437 = arith.minimumf %min3A_421, %min3A_425 : vector<16xf32>
      %max3A_438 = arith.maximumf %max3A_434, %min3A_431 : vector<16xf32>
      %min3A_439 = arith.minimumf %max3A_434, %min3A_431 : vector<16xf32>
      %max3A_440 = arith.maximumf %max3A_436, %min3A_433 : vector<16xf32>
      %min3A_441 = arith.minimumf %max3A_436, %min3A_433 : vector<16xf32>
      %max3A_442 = arith.maximumf %max3A_432, %max3A_438 : vector<16xf32>
      %min3A_443 = arith.minimumf %max3A_432, %max3A_438 : vector<16xf32>
      %max3A_444 = arith.maximumf %max3A_440, %min3A_439 : vector<16xf32>
      %min3A_445 = arith.minimumf %max3A_440, %min3A_439 : vector<16xf32>
      %max3A_446 = arith.maximumf %min3A_441, %min3A_435 : vector<16xf32>
      %min3A_447 = arith.minimumf %min3A_441, %min3A_435 : vector<16xf32>
      %max3A_448 = arith.maximumf %max3A_306, %min3A_437 : vector<16xf32>
      %max3A_449 = arith.maximumf %min3A_307, %min3A_447 : vector<16xf32>
      %max3A_450 = arith.maximumf %max3A_308, %max3A_446 : vector<16xf32>
      %max3A_451 = arith.maximumf %min3A_309, %min3A_445 : vector<16xf32>
      %max3A_452 = arith.maximumf %max3A_310, %max3A_444 : vector<16xf32>
      %max3A_453 = arith.maximumf %min3A_311, %min3A_443 : vector<16xf32>
      %max3A_454 = arith.maximumf %max3A_312, %max3A_442 : vector<16xf32>
      %max3A_455 = arith.maximumf %min3A_313, %max3A_430 : vector<16xf32>
      %max3A_456 = arith.maximumf %max3A_448, %max3A_452 : vector<16xf32>
      %min3A_457 = arith.minimumf %max3A_448, %max3A_452 : vector<16xf32>
      %max3A_458 = arith.maximumf %max3A_449, %max3A_453 : vector<16xf32>
      %min3A_459 = arith.minimumf %max3A_449, %max3A_453 : vector<16xf32>
      %max3A_460 = arith.maximumf %max3A_450, %max3A_454 : vector<16xf32>
      %min3A_461 = arith.minimumf %max3A_450, %max3A_454 : vector<16xf32>
      %max3A_462 = arith.maximumf %max3A_451, %max3A_455 : vector<16xf32>
      %min3A_463 = arith.minimumf %max3A_451, %max3A_455 : vector<16xf32>
      %max3A_464 = arith.maximumf %max3A_456, %max3A_460 : vector<16xf32>
      %min3A_465 = arith.minimumf %max3A_456, %max3A_460 : vector<16xf32>
      %max3A_466 = arith.maximumf %max3A_458, %max3A_462 : vector<16xf32>
      %min3A_467 = arith.minimumf %max3A_458, %max3A_462 : vector<16xf32>
      %max3A_468 = arith.maximumf %min3A_457, %min3A_461 : vector<16xf32>
      %min3A_469 = arith.minimumf %min3A_457, %min3A_461 : vector<16xf32>
      %max3A_470 = arith.maximumf %min3A_459, %min3A_463 : vector<16xf32>
      %min3A_471 = arith.minimumf %min3A_459, %min3A_463 : vector<16xf32>
      %max3A_472 = arith.maximumf %max3A_464, %max3A_466 : vector<16xf32>
      %min3A_473 = arith.minimumf %max3A_464, %max3A_466 : vector<16xf32>
      %max3A_474 = arith.maximumf %min3A_465, %min3A_467 : vector<16xf32>
      %min3A_475 = arith.minimumf %min3A_465, %min3A_467 : vector<16xf32>
      %max3A_476 = arith.maximumf %max3A_468, %max3A_470 : vector<16xf32>
      %min3A_477 = arith.minimumf %max3A_468, %max3A_470 : vector<16xf32>
      %max3A_478 = arith.maximumf %min3A_469, %min3A_471 : vector<16xf32>
      %min3A_479 = arith.minimumf %min3A_469, %min3A_471 : vector<16xf32>
      %add3A_480 = arith.constant 24 : i32
      %add3A_481 = vector.broadcast %add3A_480 : i32 to vector<16xi32>
      %add3A_482 = arith.addi %mul3A_19, %add3A_481 : vector<16xi32>
      %gather3A_483 = tpu.vector_load_idx %arg6[%add3A_482] : memref<33280xf32, #tpu.memory_space<vmem>>[vector<16xi32>], vector<16xf32>,
      %bitcast3A_484 = vector.bitcast %gather3A_483 : vector<16xf32> to vector<16xi32>
      %and3A_485 = arith.constant -64 : i32
      %and3A_486 = vector.broadcast %and3A_485 : i32 to vector<16xi32>
      %and3A_487 = arith.andi %bitcast3A_484, %and3A_486 : vector<16xi32>
      %or3A_488 = arith.constant 39 : i32
      %or3A_489 = vector.broadcast %or3A_488 : i32 to vector<16xi32>
      %or3A_490 = arith.ori %and3A_487, %or3A_489 : vector<16xi32>
      %bitcast3A_491 = vector.bitcast %or3A_490 : vector<16xi32> to vector<16xf32>
      %add3A_492 = arith.constant 25 : i32
      %add3A_493 = vector.broadcast %add3A_492 : i32 to vector<16xi32>
      %add3A_494 = arith.addi %mul3A_19, %add3A_493 : vector<16xi32>
      %gather3A_495 = tpu.vector_load_idx %arg6[%add3A_494] : memref<33280xf32, #tpu.memory_space<vmem>>[vector<16xi32>], vector<16xf32>,
      %bitcast3A_496 = vector.bitcast %gather3A_495 : vector<16xf32> to vector<16xi32>
      %and3A_497 = arith.constant -64 : i32
      %and3A_498 = vector.broadcast %and3A_497 : i32 to vector<16xi32>
      %and3A_499 = arith.andi %bitcast3A_496, %and3A_498 : vector<16xi32>
      %or3A_500 = arith.constant 38 : i32
      %or3A_501 = vector.broadcast %or3A_500 : i32 to vector<16xi32>
      %or3A_502 = arith.ori %and3A_499, %or3A_501 : vector<16xi32>
      %bitcast3A_503 = vector.bitcast %or3A_502 : vector<16xi32> to vector<16xf32>
      %add3A_504 = arith.constant 26 : i32
      %add3A_505 = vector.broadcast %add3A_504 : i32 to vector<16xi32>
      %add3A_506 = arith.addi %mul3A_19, %add3A_505 : vector<16xi32>
      %gather3A_507 = tpu.vector_load_idx %arg6[%add3A_506] : memref<33280xf32, #tpu.memory_space<vmem>>[vector<16xi32>], vector<16xf32>,
      %bitcast3A_508 = vector.bitcast %gather3A_507 : vector<16xf32> to vector<16xi32>
      %and3A_509 = arith.constant -64 : i32
      %and3A_510 = vector.broadcast %and3A_509 : i32 to vector<16xi32>
      %and3A_511 = arith.andi %bitcast3A_508, %and3A_510 : vector<16xi32>
      %or3A_512 = arith.constant 37 : i32
      %or3A_513 = vector.broadcast %or3A_512 : i32 to vector<16xi32>
      %or3A_514 = arith.ori %and3A_511, %or3A_513 : vector<16xi32>
      %bitcast3A_515 = vector.bitcast %or3A_514 : vector<16xi32> to vector<16xf32>
      %add3A_516 = arith.constant 27 : i32
      %add3A_517 = vector.broadcast %add3A_516 : i32 to vector<16xi32>
      %add3A_518 = arith.addi %mul3A_19, %add3A_517 : vector<16xi32>
      %gather3A_519 = tpu.vector_load_idx %arg6[%add3A_518] : memref<33280xf32, #tpu.memory_space<vmem>>[vector<16xi32>], vector<16xf32>,
      %bitcast3A_520 = vector.bitcast %gather3A_519 : vector<16xf32> to vector<16xi32>
      %and3A_521 = arith.constant -64 : i32
      %and3A_522 = vector.broadcast %and3A_521 : i32 to vector<16xi32>
      %and3A_523 = arith.andi %bitcast3A_520, %and3A_522 : vector<16xi32>
      %or3A_524 = arith.constant 36 : i32
      %or3A_525 = vector.broadcast %or3A_524 : i32 to vector<16xi32>
      %or3A_526 = arith.ori %and3A_523, %or3A_525 : vector<16xi32>
      %bitcast3A_527 = vector.bitcast %or3A_526 : vector<16xi32> to vector<16xf32>
      %add3A_528 = arith.constant 28 : i32
      %add3A_529 = vector.broadcast %add3A_528 : i32 to vector<16xi32>
      %add3A_530 = arith.addi %mul3A_19, %add3A_529 : vector<16xi32>
      %gather3A_531 = tpu.vector_load_idx %arg6[%add3A_530] : memref<33280xf32, #tpu.memory_space<vmem>>[vector<16xi32>], vector<16xf32>,
      %bitcast3A_532 = vector.bitcast %gather3A_531 : vector<16xf32> to vector<16xi32>
      %and3A_533 = arith.constant -64 : i32
      %and3A_534 = vector.broadcast %and3A_533 : i32 to vector<16xi32>
      %and3A_535 = arith.andi %bitcast3A_532, %and3A_534 : vector<16xi32>
      %or3A_536 = arith.constant 35 : i32
      %or3A_537 = vector.broadcast %or3A_536 : i32 to vector<16xi32>
      %or3A_538 = arith.ori %and3A_535, %or3A_537 : vector<16xi32>
      %bitcast3A_539 = vector.bitcast %or3A_538 : vector<16xi32> to vector<16xf32>
      %add3A_540 = arith.constant 29 : i32
      %add3A_541 = vector.broadcast %add3A_540 : i32 to vector<16xi32>
      %add3A_542 = arith.addi %mul3A_19, %add3A_541 : vector<16xi32>
      %gather3A_543 = tpu.vector_load_idx %arg6[%add3A_542] : memref<33280xf32, #tpu.memory_space<vmem>>[vector<16xi32>], vector<16xf32>,
      %bitcast3A_544 = vector.bitcast %gather3A_543 : vector<16xf32> to vector<16xi32>
      %and3A_545 = arith.constant -64 : i32
      %and3A_546 = vector.broadcast %and3A_545 : i32 to vector<16xi32>
      %and3A_547 = arith.andi %bitcast3A_544, %and3A_546 : vector<16xi32>
      %or3A_548 = arith.constant 34 : i32
      %or3A_549 = vector.broadcast %or3A_548 : i32 to vector<16xi32>
      %or3A_550 = arith.ori %and3A_547, %or3A_549 : vector<16xi32>
      %bitcast3A_551 = vector.bitcast %or3A_550 : vector<16xi32> to vector<16xf32>
      %add3A_552 = arith.constant 30 : i32
      %add3A_553 = vector.broadcast %add3A_552 : i32 to vector<16xi32>
      %add3A_554 = arith.addi %mul3A_19, %add3A_553 : vector<16xi32>
      %gather3A_555 = tpu.vector_load_idx %arg6[%add3A_554] : memref<33280xf32, #tpu.memory_space<vmem>>[vector<16xi32>], vector<16xf32>,
      %bitcast3A_556 = vector.bitcast %gather3A_555 : vector<16xf32> to vector<16xi32>
      %and3A_557 = arith.constant -64 : i32
      %and3A_558 = vector.broadcast %and3A_557 : i32 to vector<16xi32>
      %and3A_559 = arith.andi %bitcast3A_556, %and3A_558 : vector<16xi32>
      %or3A_560 = arith.constant 33 : i32
      %or3A_561 = vector.broadcast %or3A_560 : i32 to vector<16xi32>
      %or3A_562 = arith.ori %and3A_559, %or3A_561 : vector<16xi32>
      %bitcast3A_563 = vector.bitcast %or3A_562 : vector<16xi32> to vector<16xf32>
      %add3A_564 = arith.constant 31 : i32
      %add3A_565 = vector.broadcast %add3A_564 : i32 to vector<16xi32>
      %add3A_566 = arith.addi %mul3A_19, %add3A_565 : vector<16xi32>
      %gather3A_567 = tpu.vector_load_idx %arg6[%add3A_566] : memref<33280xf32, #tpu.memory_space<vmem>>[vector<16xi32>], vector<16xf32>,
      %bitcast3A_568 = vector.bitcast %gather3A_567 : vector<16xf32> to vector<16xi32>
      %and3A_569 = arith.constant -64 : i32
      %and3A_570 = vector.broadcast %and3A_569 : i32 to vector<16xi32>
      %and3A_571 = arith.andi %bitcast3A_568, %and3A_570 : vector<16xi32>
      %or3A_572 = arith.constant 32 : i32
      %or3A_573 = vector.broadcast %or3A_572 : i32 to vector<16xi32>
      %or3A_574 = arith.ori %and3A_571, %or3A_573 : vector<16xi32>
      %bitcast3A_575 = vector.bitcast %or3A_574 : vector<16xi32> to vector<16xf32>
      %max3A_576 = arith.maximumf %bitcast3A_491, %bitcast3A_503 : vector<16xf32>
      %min3A_577 = arith.minimumf %bitcast3A_491, %bitcast3A_503 : vector<16xf32>
      %max3A_578 = arith.maximumf %bitcast3A_515, %bitcast3A_527 : vector<16xf32>
      %min3A_579 = arith.minimumf %bitcast3A_515, %bitcast3A_527 : vector<16xf32>
      %max3A_580 = arith.maximumf %bitcast3A_539, %bitcast3A_551 : vector<16xf32>
      %min3A_581 = arith.minimumf %bitcast3A_539, %bitcast3A_551 : vector<16xf32>
      %max3A_582 = arith.maximumf %bitcast3A_563, %bitcast3A_575 : vector<16xf32>
      %min3A_583 = arith.minimumf %bitcast3A_563, %bitcast3A_575 : vector<16xf32>
      %max3A_584 = arith.maximumf %max3A_576, %max3A_578 : vector<16xf32>
      %min3A_585 = arith.minimumf %max3A_576, %max3A_578 : vector<16xf32>
      %max3A_586 = arith.maximumf %min3A_577, %min3A_579 : vector<16xf32>
      %min3A_587 = arith.minimumf %min3A_577, %min3A_579 : vector<16xf32>
      %max3A_588 = arith.maximumf %max3A_580, %max3A_582 : vector<16xf32>
      %min3A_589 = arith.minimumf %max3A_580, %max3A_582 : vector<16xf32>
      %max3A_590 = arith.maximumf %min3A_581, %min3A_583 : vector<16xf32>
      %min3A_591 = arith.minimumf %min3A_581, %min3A_583 : vector<16xf32>
      %max3A_592 = arith.maximumf %max3A_586, %min3A_585 : vector<16xf32>
      %min3A_593 = arith.minimumf %max3A_586, %min3A_585 : vector<16xf32>
      %max3A_594 = arith.maximumf %max3A_590, %min3A_589 : vector<16xf32>
      %min3A_595 = arith.minimumf %max3A_590, %min3A_589 : vector<16xf32>
      %max3A_596 = arith.maximumf %max3A_584, %max3A_588 : vector<16xf32>
      %min3A_597 = arith.minimumf %max3A_584, %max3A_588 : vector<16xf32>
      %max3A_598 = arith.maximumf %max3A_592, %max3A_594 : vector<16xf32>
      %min3A_599 = arith.minimumf %max3A_592, %max3A_594 : vector<16xf32>
      %max3A_600 = arith.maximumf %min3A_593, %min3A_595 : vector<16xf32>
      %min3A_601 = arith.minimumf %min3A_593, %min3A_595 : vector<16xf32>
      %max3A_602 = arith.maximumf %min3A_587, %min3A_591 : vector<16xf32>
      %min3A_603 = arith.minimumf %min3A_587, %min3A_591 : vector<16xf32>
      %max3A_604 = arith.maximumf %max3A_600, %min3A_597 : vector<16xf32>
      %min3A_605 = arith.minimumf %max3A_600, %min3A_597 : vector<16xf32>
      %max3A_606 = arith.maximumf %max3A_602, %min3A_599 : vector<16xf32>
      %min3A_607 = arith.minimumf %max3A_602, %min3A_599 : vector<16xf32>
      %max3A_608 = arith.maximumf %max3A_598, %max3A_604 : vector<16xf32>
      %min3A_609 = arith.minimumf %max3A_598, %max3A_604 : vector<16xf32>
      %max3A_610 = arith.maximumf %max3A_606, %min3A_605 : vector<16xf32>
      %min3A_611 = arith.minimumf %max3A_606, %min3A_605 : vector<16xf32>
      %max3A_612 = arith.maximumf %min3A_607, %min3A_601 : vector<16xf32>
      %min3A_613 = arith.minimumf %min3A_607, %min3A_601 : vector<16xf32>
      %max3A_614 = arith.maximumf %max3A_472, %min3A_603 : vector<16xf32>
      %max3A_615 = arith.maximumf %min3A_473, %min3A_613 : vector<16xf32>
      %max3A_616 = arith.maximumf %max3A_474, %max3A_612 : vector<16xf32>
      %max3A_617 = arith.maximumf %min3A_475, %min3A_611 : vector<16xf32>
      %max3A_618 = arith.maximumf %max3A_476, %max3A_610 : vector<16xf32>
      %max3A_619 = arith.maximumf %min3A_477, %min3A_609 : vector<16xf32>
      %max3A_620 = arith.maximumf %max3A_478, %max3A_608 : vector<16xf32>
      %max3A_621 = arith.maximumf %min3A_479, %max3A_596 : vector<16xf32>
      %max3A_622 = arith.maximumf %max3A_614, %max3A_618 : vector<16xf32>
      %min3A_623 = arith.minimumf %max3A_614, %max3A_618 : vector<16xf32>
      %max3A_624 = arith.maximumf %max3A_615, %max3A_619 : vector<16xf32>
      %min3A_625 = arith.minimumf %max3A_615, %max3A_619 : vector<16xf32>
      %max3A_626 = arith.maximumf %max3A_616, %max3A_620 : vector<16xf32>
      %min3A_627 = arith.minimumf %max3A_616, %max3A_620 : vector<16xf32>
      %max3A_628 = arith.maximumf %max3A_617, %max3A_621 : vector<16xf32>
      %min3A_629 = arith.minimumf %max3A_617, %max3A_621 : vector<16xf32>
      %max3A_630 = arith.maximumf %max3A_622, %max3A_626 : vector<16xf32>
      %min3A_631 = arith.minimumf %max3A_622, %max3A_626 : vector<16xf32>
      %max3A_632 = arith.maximumf %max3A_624, %max3A_628 : vector<16xf32>
      %min3A_633 = arith.minimumf %max3A_624, %max3A_628 : vector<16xf32>
      %max3A_634 = arith.maximumf %min3A_623, %min3A_627 : vector<16xf32>
      %min3A_635 = arith.minimumf %min3A_623, %min3A_627 : vector<16xf32>
      %max3A_636 = arith.maximumf %min3A_625, %min3A_629 : vector<16xf32>
      %min3A_637 = arith.minimumf %min3A_625, %min3A_629 : vector<16xf32>
      %max3A_638 = arith.maximumf %max3A_630, %max3A_632 : vector<16xf32>
      %min3A_639 = arith.minimumf %max3A_630, %max3A_632 : vector<16xf32>
      %max3A_640 = arith.maximumf %min3A_631, %min3A_633 : vector<16xf32>
      %min3A_641 = arith.minimumf %min3A_631, %min3A_633 : vector<16xf32>
      %max3A_642 = arith.maximumf %max3A_634, %max3A_636 : vector<16xf32>
      %min3A_643 = arith.minimumf %max3A_634, %max3A_636 : vector<16xf32>
      %max3A_644 = arith.maximumf %min3A_635, %min3A_637 : vector<16xf32>
      %min3A_645 = arith.minimumf %min3A_635, %min3A_637 : vector<16xf32>
      %add3A_646 = arith.constant 32 : i32
      %add3A_647 = vector.broadcast %add3A_646 : i32 to vector<16xi32>
      %add3A_648 = arith.addi %mul3A_19, %add3A_647 : vector<16xi32>
      %gather3A_649 = tpu.vector_load_idx %arg6[%add3A_648] : memref<33280xf32, #tpu.memory_space<vmem>>[vector<16xi32>], vector<16xf32>,
      %bitcast3A_650 = vector.bitcast %gather3A_649 : vector<16xf32> to vector<16xi32>
      %and3A_651 = arith.constant -64 : i32
      %and3A_652 = vector.broadcast %and3A_651 : i32 to vector<16xi32>
      %and3A_653 = arith.andi %bitcast3A_650, %and3A_652 : vector<16xi32>
      %or3A_654 = arith.constant 31 : i32
      %or3A_655 = vector.broadcast %or3A_654 : i32 to vector<16xi32>
      %or3A_656 = arith.ori %and3A_653, %or3A_655 : vector<16xi32>
      %bitcast3A_657 = vector.bitcast %or3A_656 : vector<16xi32> to vector<16xf32>
      %add3A_658 = arith.constant 33 : i32
      %add3A_659 = vector.broadcast %add3A_658 : i32 to vector<16xi32>
      %add3A_660 = arith.addi %mul3A_19, %add3A_659 : vector<16xi32>
      %gather3A_661 = tpu.vector_load_idx %arg6[%add3A_660] : memref<33280xf32, #tpu.memory_space<vmem>>[vector<16xi32>], vector<16xf32>,
      %bitcast3A_662 = vector.bitcast %gather3A_661 : vector<16xf32> to vector<16xi32>
      %and3A_663 = arith.constant -64 : i32
      %and3A_664 = vector.broadcast %and3A_663 : i32 to vector<16xi32>
      %and3A_665 = arith.andi %bitcast3A_662, %and3A_664 : vector<16xi32>
      %or3A_666 = arith.constant 30 : i32
      %or3A_667 = vector.broadcast %or3A_666 : i32 to vector<16xi32>
      %or3A_668 = arith.ori %and3A_665, %or3A_667 : vector<16xi32>
      %bitcast3A_669 = vector.bitcast %or3A_668 : vector<16xi32> to vector<16xf32>
      %add3A_670 = arith.constant 34 : i32
      %add3A_671 = vector.broadcast %add3A_670 : i32 to vector<16xi32>
      %add3A_672 = arith.addi %mul3A_19, %add3A_671 : vector<16xi32>
      %gather3A_673 = tpu.vector_load_idx %arg6[%add3A_672] : memref<33280xf32, #tpu.memory_space<vmem>>[vector<16xi32>], vector<16xf32>,
      %bitcast3A_674 = vector.bitcast %gather3A_673 : vector<16xf32> to vector<16xi32>
      %and3A_675 = arith.constant -64 : i32
      %and3A_676 = vector.broadcast %and3A_675 : i32 to vector<16xi32>
      %and3A_677 = arith.andi %bitcast3A_674, %and3A_676 : vector<16xi32>
      %or3A_678 = arith.constant 29 : i32
      %or3A_679 = vector.broadcast %or3A_678 : i32 to vector<16xi32>
      %or3A_680 = arith.ori %and3A_677, %or3A_679 : vector<16xi32>
      %bitcast3A_681 = vector.bitcast %or3A_680 : vector<16xi32> to vector<16xf32>
      %add3A_682 = arith.constant 35 : i32
      %add3A_683 = vector.broadcast %add3A_682 : i32 to vector<16xi32>
      %add3A_684 = arith.addi %mul3A_19, %add3A_683 : vector<16xi32>
      %gather3A_685 = tpu.vector_load_idx %arg6[%add3A_684] : memref<33280xf32, #tpu.memory_space<vmem>>[vector<16xi32>], vector<16xf32>,
      %bitcast3A_686 = vector.bitcast %gather3A_685 : vector<16xf32> to vector<16xi32>
      %and3A_687 = arith.constant -64 : i32
      %and3A_688 = vector.broadcast %and3A_687 : i32 to vector<16xi32>
      %and3A_689 = arith.andi %bitcast3A_686, %and3A_688 : vector<16xi32>
      %or3A_690 = arith.constant 28 : i32
      %or3A_691 = vector.broadcast %or3A_690 : i32 to vector<16xi32>
      %or3A_692 = arith.ori %and3A_689, %or3A_691 : vector<16xi32>
      %bitcast3A_693 = vector.bitcast %or3A_692 : vector<16xi32> to vector<16xf32>
      %add3A_694 = arith.constant 36 : i32
      %add3A_695 = vector.broadcast %add3A_694 : i32 to vector<16xi32>
      %add3A_696 = arith.addi %mul3A_19, %add3A_695 : vector<16xi32>
      %gather3A_697 = tpu.vector_load_idx %arg6[%add3A_696] : memref<33280xf32, #tpu.memory_space<vmem>>[vector<16xi32>], vector<16xf32>,
      %bitcast3A_698 = vector.bitcast %gather3A_697 : vector<16xf32> to vector<16xi32>
      %and3A_699 = arith.constant -64 : i32
      %and3A_700 = vector.broadcast %and3A_699 : i32 to vector<16xi32>
      %and3A_701 = arith.andi %bitcast3A_698, %and3A_700 : vector<16xi32>
      %or3A_702 = arith.constant 27 : i32
      %or3A_703 = vector.broadcast %or3A_702 : i32 to vector<16xi32>
      %or3A_704 = arith.ori %and3A_701, %or3A_703 : vector<16xi32>
      %bitcast3A_705 = vector.bitcast %or3A_704 : vector<16xi32> to vector<16xf32>
      %add3A_706 = arith.constant 37 : i32
      %add3A_707 = vector.broadcast %add3A_706 : i32 to vector<16xi32>
      %add3A_708 = arith.addi %mul3A_19, %add3A_707 : vector<16xi32>
      %gather3A_709 = tpu.vector_load_idx %arg6[%add3A_708] : memref<33280xf32, #tpu.memory_space<vmem>>[vector<16xi32>], vector<16xf32>,
      %bitcast3A_710 = vector.bitcast %gather3A_709 : vector<16xf32> to vector<16xi32>
      %and3A_711 = arith.constant -64 : i32
      %and3A_712 = vector.broadcast %and3A_711 : i32 to vector<16xi32>
      %and3A_713 = arith.andi %bitcast3A_710, %and3A_712 : vector<16xi32>
      %or3A_714 = arith.constant 26 : i32
      %or3A_715 = vector.broadcast %or3A_714 : i32 to vector<16xi32>
      %or3A_716 = arith.ori %and3A_713, %or3A_715 : vector<16xi32>
      %bitcast3A_717 = vector.bitcast %or3A_716 : vector<16xi32> to vector<16xf32>
      %add3A_718 = arith.constant 38 : i32
      %add3A_719 = vector.broadcast %add3A_718 : i32 to vector<16xi32>
      %add3A_720 = arith.addi %mul3A_19, %add3A_719 : vector<16xi32>
      %gather3A_721 = tpu.vector_load_idx %arg6[%add3A_720] : memref<33280xf32, #tpu.memory_space<vmem>>[vector<16xi32>], vector<16xf32>,
      %bitcast3A_722 = vector.bitcast %gather3A_721 : vector<16xf32> to vector<16xi32>
      %and3A_723 = arith.constant -64 : i32
      %and3A_724 = vector.broadcast %and3A_723 : i32 to vector<16xi32>
      %and3A_725 = arith.andi %bitcast3A_722, %and3A_724 : vector<16xi32>
      %or3A_726 = arith.constant 25 : i32
      %or3A_727 = vector.broadcast %or3A_726 : i32 to vector<16xi32>
      %or3A_728 = arith.ori %and3A_725, %or3A_727 : vector<16xi32>
      %bitcast3A_729 = vector.bitcast %or3A_728 : vector<16xi32> to vector<16xf32>
      %add3A_730 = arith.constant 39 : i32
      %add3A_731 = vector.broadcast %add3A_730 : i32 to vector<16xi32>
      %add3A_732 = arith.addi %mul3A_19, %add3A_731 : vector<16xi32>
      %gather3A_733 = tpu.vector_load_idx %arg6[%add3A_732] : memref<33280xf32, #tpu.memory_space<vmem>>[vector<16xi32>], vector<16xf32>,
      %bitcast3A_734 = vector.bitcast %gather3A_733 : vector<16xf32> to vector<16xi32>
      %and3A_735 = arith.constant -64 : i32
      %and3A_736 = vector.broadcast %and3A_735 : i32 to vector<16xi32>
      %and3A_737 = arith.andi %bitcast3A_734, %and3A_736 : vector<16xi32>
      %or3A_738 = arith.constant 24 : i32
      %or3A_739 = vector.broadcast %or3A_738 : i32 to vector<16xi32>
      %or3A_740 = arith.ori %and3A_737, %or3A_739 : vector<16xi32>
      %bitcast3A_741 = vector.bitcast %or3A_740 : vector<16xi32> to vector<16xf32>
      %max3A_742 = arith.maximumf %bitcast3A_657, %bitcast3A_669 : vector<16xf32>
      %min3A_743 = arith.minimumf %bitcast3A_657, %bitcast3A_669 : vector<16xf32>
      %max3A_744 = arith.maximumf %bitcast3A_681, %bitcast3A_693 : vector<16xf32>
      %min3A_745 = arith.minimumf %bitcast3A_681, %bitcast3A_693 : vector<16xf32>
      %max3A_746 = arith.maximumf %bitcast3A_705, %bitcast3A_717 : vector<16xf32>
      %min3A_747 = arith.minimumf %bitcast3A_705, %bitcast3A_717 : vector<16xf32>
      %max3A_748 = arith.maximumf %bitcast3A_729, %bitcast3A_741 : vector<16xf32>
      %min3A_749 = arith.minimumf %bitcast3A_729, %bitcast3A_741 : vector<16xf32>
      %max3A_750 = arith.maximumf %max3A_742, %max3A_744 : vector<16xf32>
      %min3A_751 = arith.minimumf %max3A_742, %max3A_744 : vector<16xf32>
      %max3A_752 = arith.maximumf %min3A_743, %min3A_745 : vector<16xf32>
      %min3A_753 = arith.minimumf %min3A_743, %min3A_745 : vector<16xf32>
      %max3A_754 = arith.maximumf %max3A_746, %max3A_748 : vector<16xf32>
      %min3A_755 = arith.minimumf %max3A_746, %max3A_748 : vector<16xf32>
      %max3A_756 = arith.maximumf %min3A_747, %min3A_749 : vector<16xf32>
      %min3A_757 = arith.minimumf %min3A_747, %min3A_749 : vector<16xf32>
      %max3A_758 = arith.maximumf %max3A_752, %min3A_751 : vector<16xf32>
      %min3A_759 = arith.minimumf %max3A_752, %min3A_751 : vector<16xf32>
      %max3A_760 = arith.maximumf %max3A_756, %min3A_755 : vector<16xf32>
      %min3A_761 = arith.minimumf %max3A_756, %min3A_755 : vector<16xf32>
      %max3A_762 = arith.maximumf %max3A_750, %max3A_754 : vector<16xf32>
      %min3A_763 = arith.minimumf %max3A_750, %max3A_754 : vector<16xf32>
      %max3A_764 = arith.maximumf %max3A_758, %max3A_760 : vector<16xf32>
      %min3A_765 = arith.minimumf %max3A_758, %max3A_760 : vector<16xf32>
      %max3A_766 = arith.maximumf %min3A_759, %min3A_761 : vector<16xf32>
      %min3A_767 = arith.minimumf %min3A_759, %min3A_761 : vector<16xf32>
      %max3A_768 = arith.maximumf %min3A_753, %min3A_757 : vector<16xf32>
      %min3A_769 = arith.minimumf %min3A_753, %min3A_757 : vector<16xf32>
      %max3A_770 = arith.maximumf %max3A_766, %min3A_763 : vector<16xf32>
      %min3A_771 = arith.minimumf %max3A_766, %min3A_763 : vector<16xf32>
      %max3A_772 = arith.maximumf %max3A_768, %min3A_765 : vector<16xf32>
      %min3A_773 = arith.minimumf %max3A_768, %min3A_765 : vector<16xf32>
      %max3A_774 = arith.maximumf %max3A_764, %max3A_770 : vector<16xf32>
      %min3A_775 = arith.minimumf %max3A_764, %max3A_770 : vector<16xf32>
      %max3A_776 = arith.maximumf %max3A_772, %min3A_771 : vector<16xf32>
      %min3A_777 = arith.minimumf %max3A_772, %min3A_771 : vector<16xf32>
      %max3A_778 = arith.maximumf %min3A_773, %min3A_767 : vector<16xf32>
      %min3A_779 = arith.minimumf %min3A_773, %min3A_767 : vector<16xf32>
      %max3A_780 = arith.maximumf %max3A_638, %min3A_769 : vector<16xf32>
      %max3A_781 = arith.maximumf %min3A_639, %min3A_779 : vector<16xf32>
      %max3A_782 = arith.maximumf %max3A_640, %max3A_778 : vector<16xf32>
      %max3A_783 = arith.maximumf %min3A_641, %min3A_777 : vector<16xf32>
      %max3A_784 = arith.maximumf %max3A_642, %max3A_776 : vector<16xf32>
      %max3A_785 = arith.maximumf %min3A_643, %min3A_775 : vector<16xf32>
      %max3A_786 = arith.maximumf %max3A_644, %max3A_774 : vector<16xf32>
      %max3A_787 = arith.maximumf %min3A_645, %max3A_762 : vector<16xf32>
      %max3A_788 = arith.maximumf %max3A_780, %max3A_784 : vector<16xf32>
      %min3A_789 = arith.minimumf %max3A_780, %max3A_784 : vector<16xf32>
      %max3A_790 = arith.maximumf %max3A_781, %max3A_785 : vector<16xf32>
      %min3A_791 = arith.minimumf %max3A_781, %max3A_785 : vector<16xf32>
      %max3A_792 = arith.maximumf %max3A_782, %max3A_786 : vector<16xf32>
      %min3A_793 = arith.minimumf %max3A_782, %max3A_786 : vector<16xf32>
      %max3A_794 = arith.maximumf %max3A_783, %max3A_787 : vector<16xf32>
      %min3A_795 = arith.minimumf %max3A_783, %max3A_787 : vector<16xf32>
      %max3A_796 = arith.maximumf %max3A_788, %max3A_792 : vector<16xf32>
      %min3A_797 = arith.minimumf %max3A_788, %max3A_792 : vector<16xf32>
      %max3A_798 = arith.maximumf %max3A_790, %max3A_794 : vector<16xf32>
      %min3A_799 = arith.minimumf %max3A_790, %max3A_794 : vector<16xf32>
      %max3A_800 = arith.maximumf %min3A_789, %min3A_793 : vector<16xf32>
      %min3A_801 = arith.minimumf %min3A_789, %min3A_793 : vector<16xf32>
      %max3A_802 = arith.maximumf %min3A_791, %min3A_795 : vector<16xf32>
      %min3A_803 = arith.minimumf %min3A_791, %min3A_795 : vector<16xf32>
      %max3A_804 = arith.maximumf %max3A_796, %max3A_798 : vector<16xf32>
      %min3A_805 = arith.minimumf %max3A_796, %max3A_798 : vector<16xf32>
      %max3A_806 = arith.maximumf %min3A_797, %min3A_799 : vector<16xf32>
      %min3A_807 = arith.minimumf %min3A_797, %min3A_799 : vector<16xf32>
      %max3A_808 = arith.maximumf %max3A_800, %max3A_802 : vector<16xf32>
      %min3A_809 = arith.minimumf %max3A_800, %max3A_802 : vector<16xf32>
      %max3A_810 = arith.maximumf %min3A_801, %min3A_803 : vector<16xf32>
      %min3A_811 = arith.minimumf %min3A_801, %min3A_803 : vector<16xf32>
      %add3A_812 = arith.constant 40 : i32
      %add3A_813 = vector.broadcast %add3A_812 : i32 to vector<16xi32>
      %add3A_814 = arith.addi %mul3A_19, %add3A_813 : vector<16xi32>
      %gather3A_815 = tpu.vector_load_idx %arg6[%add3A_814] : memref<33280xf32, #tpu.memory_space<vmem>>[vector<16xi32>], vector<16xf32>,
      %bitcast3A_816 = vector.bitcast %gather3A_815 : vector<16xf32> to vector<16xi32>
      %and3A_817 = arith.constant -64 : i32
      %and3A_818 = vector.broadcast %and3A_817 : i32 to vector<16xi32>
      %and3A_819 = arith.andi %bitcast3A_816, %and3A_818 : vector<16xi32>
      %or3A_820 = arith.constant 23 : i32
      %or3A_821 = vector.broadcast %or3A_820 : i32 to vector<16xi32>
      %or3A_822 = arith.ori %and3A_819, %or3A_821 : vector<16xi32>
      %bitcast3A_823 = vector.bitcast %or3A_822 : vector<16xi32> to vector<16xf32>
      %add3A_824 = arith.constant 41 : i32
      %add3A_825 = vector.broadcast %add3A_824 : i32 to vector<16xi32>
      %add3A_826 = arith.addi %mul3A_19, %add3A_825 : vector<16xi32>
      %gather3A_827 = tpu.vector_load_idx %arg6[%add3A_826] : memref<33280xf32, #tpu.memory_space<vmem>>[vector<16xi32>], vector<16xf32>,
      %bitcast3A_828 = vector.bitcast %gather3A_827 : vector<16xf32> to vector<16xi32>
      %and3A_829 = arith.constant -64 : i32
      %and3A_830 = vector.broadcast %and3A_829 : i32 to vector<16xi32>
      %and3A_831 = arith.andi %bitcast3A_828, %and3A_830 : vector<16xi32>
      %or3A_832 = arith.constant 22 : i32
      %or3A_833 = vector.broadcast %or3A_832 : i32 to vector<16xi32>
      %or3A_834 = arith.ori %and3A_831, %or3A_833 : vector<16xi32>
      %bitcast3A_835 = vector.bitcast %or3A_834 : vector<16xi32> to vector<16xf32>
      %add3A_836 = arith.constant 42 : i32
      %add3A_837 = vector.broadcast %add3A_836 : i32 to vector<16xi32>
      %add3A_838 = arith.addi %mul3A_19, %add3A_837 : vector<16xi32>
      %gather3A_839 = tpu.vector_load_idx %arg6[%add3A_838] : memref<33280xf32, #tpu.memory_space<vmem>>[vector<16xi32>], vector<16xf32>,
      %bitcast3A_840 = vector.bitcast %gather3A_839 : vector<16xf32> to vector<16xi32>
      %and3A_841 = arith.constant -64 : i32
      %and3A_842 = vector.broadcast %and3A_841 : i32 to vector<16xi32>
      %and3A_843 = arith.andi %bitcast3A_840, %and3A_842 : vector<16xi32>
      %or3A_844 = arith.constant 21 : i32
      %or3A_845 = vector.broadcast %or3A_844 : i32 to vector<16xi32>
      %or3A_846 = arith.ori %and3A_843, %or3A_845 : vector<16xi32>
      %bitcast3A_847 = vector.bitcast %or3A_846 : vector<16xi32> to vector<16xf32>
      %add3A_848 = arith.constant 43 : i32
      %add3A_849 = vector.broadcast %add3A_848 : i32 to vector<16xi32>
      %add3A_850 = arith.addi %mul3A_19, %add3A_849 : vector<16xi32>
      %gather3A_851 = tpu.vector_load_idx %arg6[%add3A_850] : memref<33280xf32, #tpu.memory_space<vmem>>[vector<16xi32>], vector<16xf32>,
      %bitcast3A_852 = vector.bitcast %gather3A_851 : vector<16xf32> to vector<16xi32>
      %and3A_853 = arith.constant -64 : i32
      %and3A_854 = vector.broadcast %and3A_853 : i32 to vector<16xi32>
      %and3A_855 = arith.andi %bitcast3A_852, %and3A_854 : vector<16xi32>
      %or3A_856 = arith.constant 20 : i32
      %or3A_857 = vector.broadcast %or3A_856 : i32 to vector<16xi32>
      %or3A_858 = arith.ori %and3A_855, %or3A_857 : vector<16xi32>
      %bitcast3A_859 = vector.bitcast %or3A_858 : vector<16xi32> to vector<16xf32>
      %add3A_860 = arith.constant 44 : i32
      %add3A_861 = vector.broadcast %add3A_860 : i32 to vector<16xi32>
      %add3A_862 = arith.addi %mul3A_19, %add3A_861 : vector<16xi32>
      %gather3A_863 = tpu.vector_load_idx %arg6[%add3A_862] : memref<33280xf32, #tpu.memory_space<vmem>>[vector<16xi32>], vector<16xf32>,
      %bitcast3A_864 = vector.bitcast %gather3A_863 : vector<16xf32> to vector<16xi32>
      %and3A_865 = arith.constant -64 : i32
      %and3A_866 = vector.broadcast %and3A_865 : i32 to vector<16xi32>
      %and3A_867 = arith.andi %bitcast3A_864, %and3A_866 : vector<16xi32>
      %or3A_868 = arith.constant 19 : i32
      %or3A_869 = vector.broadcast %or3A_868 : i32 to vector<16xi32>
      %or3A_870 = arith.ori %and3A_867, %or3A_869 : vector<16xi32>
      %bitcast3A_871 = vector.bitcast %or3A_870 : vector<16xi32> to vector<16xf32>
      %add3A_872 = arith.constant 45 : i32
      %add3A_873 = vector.broadcast %add3A_872 : i32 to vector<16xi32>
      %add3A_874 = arith.addi %mul3A_19, %add3A_873 : vector<16xi32>
      %gather3A_875 = tpu.vector_load_idx %arg6[%add3A_874] : memref<33280xf32, #tpu.memory_space<vmem>>[vector<16xi32>], vector<16xf32>,
      %bitcast3A_876 = vector.bitcast %gather3A_875 : vector<16xf32> to vector<16xi32>
      %and3A_877 = arith.constant -64 : i32
      %and3A_878 = vector.broadcast %and3A_877 : i32 to vector<16xi32>
      %and3A_879 = arith.andi %bitcast3A_876, %and3A_878 : vector<16xi32>
      %or3A_880 = arith.constant 18 : i32
      %or3A_881 = vector.broadcast %or3A_880 : i32 to vector<16xi32>
      %or3A_882 = arith.ori %and3A_879, %or3A_881 : vector<16xi32>
      %bitcast3A_883 = vector.bitcast %or3A_882 : vector<16xi32> to vector<16xf32>
      %add3A_884 = arith.constant 46 : i32
      %add3A_885 = vector.broadcast %add3A_884 : i32 to vector<16xi32>
      %add3A_886 = arith.addi %mul3A_19, %add3A_885 : vector<16xi32>
      %gather3A_887 = tpu.vector_load_idx %arg6[%add3A_886] : memref<33280xf32, #tpu.memory_space<vmem>>[vector<16xi32>], vector<16xf32>,
      %bitcast3A_888 = vector.bitcast %gather3A_887 : vector<16xf32> to vector<16xi32>
      %and3A_889 = arith.constant -64 : i32
      %and3A_890 = vector.broadcast %and3A_889 : i32 to vector<16xi32>
      %and3A_891 = arith.andi %bitcast3A_888, %and3A_890 : vector<16xi32>
      %or3A_892 = arith.constant 17 : i32
      %or3A_893 = vector.broadcast %or3A_892 : i32 to vector<16xi32>
      %or3A_894 = arith.ori %and3A_891, %or3A_893 : vector<16xi32>
      %bitcast3A_895 = vector.bitcast %or3A_894 : vector<16xi32> to vector<16xf32>
      %add3A_896 = arith.constant 47 : i32
      %add3A_897 = vector.broadcast %add3A_896 : i32 to vector<16xi32>
      %add3A_898 = arith.addi %mul3A_19, %add3A_897 : vector<16xi32>
      %gather3A_899 = tpu.vector_load_idx %arg6[%add3A_898] : memref<33280xf32, #tpu.memory_space<vmem>>[vector<16xi32>], vector<16xf32>,
      %bitcast3A_900 = vector.bitcast %gather3A_899 : vector<16xf32> to vector<16xi32>
      %and3A_901 = arith.constant -64 : i32
      %and3A_902 = vector.broadcast %and3A_901 : i32 to vector<16xi32>
      %and3A_903 = arith.andi %bitcast3A_900, %and3A_902 : vector<16xi32>
      %or3A_904 = arith.constant 16 : i32
      %or3A_905 = vector.broadcast %or3A_904 : i32 to vector<16xi32>
      %or3A_906 = arith.ori %and3A_903, %or3A_905 : vector<16xi32>
      %bitcast3A_907 = vector.bitcast %or3A_906 : vector<16xi32> to vector<16xf32>
      %max3A_908 = arith.maximumf %bitcast3A_823, %bitcast3A_835 : vector<16xf32>
      %min3A_909 = arith.minimumf %bitcast3A_823, %bitcast3A_835 : vector<16xf32>
      %max3A_910 = arith.maximumf %bitcast3A_847, %bitcast3A_859 : vector<16xf32>
      %min3A_911 = arith.minimumf %bitcast3A_847, %bitcast3A_859 : vector<16xf32>
      %max3A_912 = arith.maximumf %bitcast3A_871, %bitcast3A_883 : vector<16xf32>
      %min3A_913 = arith.minimumf %bitcast3A_871, %bitcast3A_883 : vector<16xf32>
      %max3A_914 = arith.maximumf %bitcast3A_895, %bitcast3A_907 : vector<16xf32>
      %min3A_915 = arith.minimumf %bitcast3A_895, %bitcast3A_907 : vector<16xf32>
      %max3A_916 = arith.maximumf %max3A_908, %max3A_910 : vector<16xf32>
      %min3A_917 = arith.minimumf %max3A_908, %max3A_910 : vector<16xf32>
      %max3A_918 = arith.maximumf %min3A_909, %min3A_911 : vector<16xf32>
      %min3A_919 = arith.minimumf %min3A_909, %min3A_911 : vector<16xf32>
      %max3A_920 = arith.maximumf %max3A_912, %max3A_914 : vector<16xf32>
      %min3A_921 = arith.minimumf %max3A_912, %max3A_914 : vector<16xf32>
      %max3A_922 = arith.maximumf %min3A_913, %min3A_915 : vector<16xf32>
      %min3A_923 = arith.minimumf %min3A_913, %min3A_915 : vector<16xf32>
      %max3A_924 = arith.maximumf %max3A_918, %min3A_917 : vector<16xf32>
      %min3A_925 = arith.minimumf %max3A_918, %min3A_917 : vector<16xf32>
      %max3A_926 = arith.maximumf %max3A_922, %min3A_921 : vector<16xf32>
      %min3A_927 = arith.minimumf %max3A_922, %min3A_921 : vector<16xf32>
      %max3A_928 = arith.maximumf %max3A_916, %max3A_920 : vector<16xf32>
      %min3A_929 = arith.minimumf %max3A_916, %max3A_920 : vector<16xf32>
      %max3A_930 = arith.maximumf %max3A_924, %max3A_926 : vector<16xf32>
      %min3A_931 = arith.minimumf %max3A_924, %max3A_926 : vector<16xf32>
      %max3A_932 = arith.maximumf %min3A_925, %min3A_927 : vector<16xf32>
      %min3A_933 = arith.minimumf %min3A_925, %min3A_927 : vector<16xf32>
      %max3A_934 = arith.maximumf %min3A_919, %min3A_923 : vector<16xf32>
      %min3A_935 = arith.minimumf %min3A_919, %min3A_923 : vector<16xf32>
      %max3A_936 = arith.maximumf %max3A_932, %min3A_929 : vector<16xf32>
      %min3A_937 = arith.minimumf %max3A_932, %min3A_929 : vector<16xf32>
      %max3A_938 = arith.maximumf %max3A_934, %min3A_931 : vector<16xf32>
      %min3A_939 = arith.minimumf %max3A_934, %min3A_931 : vector<16xf32>
      %max3A_940 = arith.maximumf %max3A_930, %max3A_936 : vector<16xf32>
      %min3A_941 = arith.minimumf %max3A_930, %max3A_936 : vector<16xf32>
      %max3A_942 = arith.maximumf %max3A_938, %min3A_937 : vector<16xf32>
      %min3A_943 = arith.minimumf %max3A_938, %min3A_937 : vector<16xf32>
      %max3A_944 = arith.maximumf %min3A_939, %min3A_933 : vector<16xf32>
      %min3A_945 = arith.minimumf %min3A_939, %min3A_933 : vector<16xf32>
      %max3A_946 = arith.maximumf %max3A_804, %min3A_935 : vector<16xf32>
      %max3A_947 = arith.maximumf %min3A_805, %min3A_945 : vector<16xf32>
      %max3A_948 = arith.maximumf %max3A_806, %max3A_944 : vector<16xf32>
      %max3A_949 = arith.maximumf %min3A_807, %min3A_943 : vector<16xf32>
      %max3A_950 = arith.maximumf %max3A_808, %max3A_942 : vector<16xf32>
      %max3A_951 = arith.maximumf %min3A_809, %min3A_941 : vector<16xf32>
      %max3A_952 = arith.maximumf %max3A_810, %max3A_940 : vector<16xf32>
      %max3A_953 = arith.maximumf %min3A_811, %max3A_928 : vector<16xf32>
      %max3A_954 = arith.maximumf %max3A_946, %max3A_950 : vector<16xf32>
      %min3A_955 = arith.minimumf %max3A_946, %max3A_950 : vector<16xf32>
      %max3A_956 = arith.maximumf %max3A_947, %max3A_951 : vector<16xf32>
      %min3A_957 = arith.minimumf %max3A_947, %max3A_951 : vector<16xf32>
      %max3A_958 = arith.maximumf %max3A_948, %max3A_952 : vector<16xf32>
      %min3A_959 = arith.minimumf %max3A_948, %max3A_952 : vector<16xf32>
      %max3A_960 = arith.maximumf %max3A_949, %max3A_953 : vector<16xf32>
      %min3A_961 = arith.minimumf %max3A_949, %max3A_953 : vector<16xf32>
      %max3A_962 = arith.maximumf %max3A_954, %max3A_958 : vector<16xf32>
      %min3A_963 = arith.minimumf %max3A_954, %max3A_958 : vector<16xf32>
      %max3A_964 = arith.maximumf %max3A_956, %max3A_960 : vector<16xf32>
      %min3A_965 = arith.minimumf %max3A_956, %max3A_960 : vector<16xf32>
      %max3A_966 = arith.maximumf %min3A_955, %min3A_959 : vector<16xf32>
      %min3A_967 = arith.minimumf %min3A_955, %min3A_959 : vector<16xf32>
      %max3A_968 = arith.maximumf %min3A_957, %min3A_961 : vector<16xf32>
      %min3A_969 = arith.minimumf %min3A_957, %min3A_961 : vector<16xf32>
      %max3A_970 = arith.maximumf %max3A_962, %max3A_964 : vector<16xf32>
      %min3A_971 = arith.minimumf %max3A_962, %max3A_964 : vector<16xf32>
      %max3A_972 = arith.maximumf %min3A_963, %min3A_965 : vector<16xf32>
      %min3A_973 = arith.minimumf %min3A_963, %min3A_965 : vector<16xf32>
      %max3A_974 = arith.maximumf %max3A_966, %max3A_968 : vector<16xf32>
      %min3A_975 = arith.minimumf %max3A_966, %max3A_968 : vector<16xf32>
      %max3A_976 = arith.maximumf %min3A_967, %min3A_969 : vector<16xf32>
      %min3A_977 = arith.minimumf %min3A_967, %min3A_969 : vector<16xf32>
      %add3A_978 = arith.constant 48 : i32
      %add3A_979 = vector.broadcast %add3A_978 : i32 to vector<16xi32>
      %add3A_980 = arith.addi %mul3A_19, %add3A_979 : vector<16xi32>
      %gather3A_981 = tpu.vector_load_idx %arg6[%add3A_980] : memref<33280xf32, #tpu.memory_space<vmem>>[vector<16xi32>], vector<16xf32>,
      %bitcast3A_982 = vector.bitcast %gather3A_981 : vector<16xf32> to vector<16xi32>
      %and3A_983 = arith.constant -64 : i32
      %and3A_984 = vector.broadcast %and3A_983 : i32 to vector<16xi32>
      %and3A_985 = arith.andi %bitcast3A_982, %and3A_984 : vector<16xi32>
      %or3A_986 = arith.constant 15 : i32
      %or3A_987 = vector.broadcast %or3A_986 : i32 to vector<16xi32>
      %or3A_988 = arith.ori %and3A_985, %or3A_987 : vector<16xi32>
      %bitcast3A_989 = vector.bitcast %or3A_988 : vector<16xi32> to vector<16xf32>
      %add3A_990 = arith.constant 49 : i32
      %add3A_991 = vector.broadcast %add3A_990 : i32 to vector<16xi32>
      %add3A_992 = arith.addi %mul3A_19, %add3A_991 : vector<16xi32>
      %gather3A_993 = tpu.vector_load_idx %arg6[%add3A_992] : memref<33280xf32, #tpu.memory_space<vmem>>[vector<16xi32>], vector<16xf32>,
      %bitcast3A_994 = vector.bitcast %gather3A_993 : vector<16xf32> to vector<16xi32>
      %and3A_995 = arith.constant -64 : i32
      %and3A_996 = vector.broadcast %and3A_995 : i32 to vector<16xi32>
      %and3A_997 = arith.andi %bitcast3A_994, %and3A_996 : vector<16xi32>
      %or3A_998 = arith.constant 14 : i32
      %or3A_999 = vector.broadcast %or3A_998 : i32 to vector<16xi32>
      %or3A_1000 = arith.ori %and3A_997, %or3A_999 : vector<16xi32>
      %bitcast3A_1001 = vector.bitcast %or3A_1000 : vector<16xi32> to vector<16xf32>
      %add3A_1002 = arith.constant 50 : i32
      %add3A_1003 = vector.broadcast %add3A_1002 : i32 to vector<16xi32>
      %add3A_1004 = arith.addi %mul3A_19, %add3A_1003 : vector<16xi32>
      %gather3A_1005 = tpu.vector_load_idx %arg6[%add3A_1004] : memref<33280xf32, #tpu.memory_space<vmem>>[vector<16xi32>], vector<16xf32>,
      %bitcast3A_1006 = vector.bitcast %gather3A_1005 : vector<16xf32> to vector<16xi32>
      %and3A_1007 = arith.constant -64 : i32
      %and3A_1008 = vector.broadcast %and3A_1007 : i32 to vector<16xi32>
      %and3A_1009 = arith.andi %bitcast3A_1006, %and3A_1008 : vector<16xi32>
      %or3A_1010 = arith.constant 13 : i32
      %or3A_1011 = vector.broadcast %or3A_1010 : i32 to vector<16xi32>
      %or3A_1012 = arith.ori %and3A_1009, %or3A_1011 : vector<16xi32>
      %bitcast3A_1013 = vector.bitcast %or3A_1012 : vector<16xi32> to vector<16xf32>
      %add3A_1014 = arith.constant 51 : i32
      %add3A_1015 = vector.broadcast %add3A_1014 : i32 to vector<16xi32>
      %add3A_1016 = arith.addi %mul3A_19, %add3A_1015 : vector<16xi32>
      %gather3A_1017 = tpu.vector_load_idx %arg6[%add3A_1016] : memref<33280xf32, #tpu.memory_space<vmem>>[vector<16xi32>], vector<16xf32>,
      %bitcast3A_1018 = vector.bitcast %gather3A_1017 : vector<16xf32> to vector<16xi32>
      %and3A_1019 = arith.constant -64 : i32
      %and3A_1020 = vector.broadcast %and3A_1019 : i32 to vector<16xi32>
      %and3A_1021 = arith.andi %bitcast3A_1018, %and3A_1020 : vector<16xi32>
      %or3A_1022 = arith.constant 12 : i32
      %or3A_1023 = vector.broadcast %or3A_1022 : i32 to vector<16xi32>
      %or3A_1024 = arith.ori %and3A_1021, %or3A_1023 : vector<16xi32>
      %bitcast3A_1025 = vector.bitcast %or3A_1024 : vector<16xi32> to vector<16xf32>
      %add3A_1026 = arith.constant 52 : i32
      %add3A_1027 = vector.broadcast %add3A_1026 : i32 to vector<16xi32>
      %add3A_1028 = arith.addi %mul3A_19, %add3A_1027 : vector<16xi32>
      %gather3A_1029 = tpu.vector_load_idx %arg6[%add3A_1028] : memref<33280xf32, #tpu.memory_space<vmem>>[vector<16xi32>], vector<16xf32>,
      %bitcast3A_1030 = vector.bitcast %gather3A_1029 : vector<16xf32> to vector<16xi32>
      %and3A_1031 = arith.constant -64 : i32
      %and3A_1032 = vector.broadcast %and3A_1031 : i32 to vector<16xi32>
      %and3A_1033 = arith.andi %bitcast3A_1030, %and3A_1032 : vector<16xi32>
      %or3A_1034 = arith.constant 11 : i32
      %or3A_1035 = vector.broadcast %or3A_1034 : i32 to vector<16xi32>
      %or3A_1036 = arith.ori %and3A_1033, %or3A_1035 : vector<16xi32>
      %bitcast3A_1037 = vector.bitcast %or3A_1036 : vector<16xi32> to vector<16xf32>
      %add3A_1038 = arith.constant 53 : i32
      %add3A_1039 = vector.broadcast %add3A_1038 : i32 to vector<16xi32>
      %add3A_1040 = arith.addi %mul3A_19, %add3A_1039 : vector<16xi32>
      %gather3A_1041 = tpu.vector_load_idx %arg6[%add3A_1040] : memref<33280xf32, #tpu.memory_space<vmem>>[vector<16xi32>], vector<16xf32>,
      %bitcast3A_1042 = vector.bitcast %gather3A_1041 : vector<16xf32> to vector<16xi32>
      %and3A_1043 = arith.constant -64 : i32
      %and3A_1044 = vector.broadcast %and3A_1043 : i32 to vector<16xi32>
      %and3A_1045 = arith.andi %bitcast3A_1042, %and3A_1044 : vector<16xi32>
      %or3A_1046 = arith.constant 10 : i32
      %or3A_1047 = vector.broadcast %or3A_1046 : i32 to vector<16xi32>
      %or3A_1048 = arith.ori %and3A_1045, %or3A_1047 : vector<16xi32>
      %bitcast3A_1049 = vector.bitcast %or3A_1048 : vector<16xi32> to vector<16xf32>
      %add3A_1050 = arith.constant 54 : i32
      %add3A_1051 = vector.broadcast %add3A_1050 : i32 to vector<16xi32>
      %add3A_1052 = arith.addi %mul3A_19, %add3A_1051 : vector<16xi32>
      %gather3A_1053 = tpu.vector_load_idx %arg6[%add3A_1052] : memref<33280xf32, #tpu.memory_space<vmem>>[vector<16xi32>], vector<16xf32>,
      %bitcast3A_1054 = vector.bitcast %gather3A_1053 : vector<16xf32> to vector<16xi32>
      %and3A_1055 = arith.constant -64 : i32
      %and3A_1056 = vector.broadcast %and3A_1055 : i32 to vector<16xi32>
      %and3A_1057 = arith.andi %bitcast3A_1054, %and3A_1056 : vector<16xi32>
      %or3A_1058 = arith.constant 9 : i32
      %or3A_1059 = vector.broadcast %or3A_1058 : i32 to vector<16xi32>
      %or3A_1060 = arith.ori %and3A_1057, %or3A_1059 : vector<16xi32>
      %bitcast3A_1061 = vector.bitcast %or3A_1060 : vector<16xi32> to vector<16xf32>
      %add3A_1062 = arith.constant 55 : i32
      %add3A_1063 = vector.broadcast %add3A_1062 : i32 to vector<16xi32>
      %add3A_1064 = arith.addi %mul3A_19, %add3A_1063 : vector<16xi32>
      %gather3A_1065 = tpu.vector_load_idx %arg6[%add3A_1064] : memref<33280xf32, #tpu.memory_space<vmem>>[vector<16xi32>], vector<16xf32>,
      %bitcast3A_1066 = vector.bitcast %gather3A_1065 : vector<16xf32> to vector<16xi32>
      %and3A_1067 = arith.constant -64 : i32
      %and3A_1068 = vector.broadcast %and3A_1067 : i32 to vector<16xi32>
      %and3A_1069 = arith.andi %bitcast3A_1066, %and3A_1068 : vector<16xi32>
      %or3A_1070 = arith.constant 8 : i32
      %or3A_1071 = vector.broadcast %or3A_1070 : i32 to vector<16xi32>
      %or3A_1072 = arith.ori %and3A_1069, %or3A_1071 : vector<16xi32>
      %bitcast3A_1073 = vector.bitcast %or3A_1072 : vector<16xi32> to vector<16xf32>
      %max3A_1074 = arith.maximumf %bitcast3A_989, %bitcast3A_1001 : vector<16xf32>
      %min3A_1075 = arith.minimumf %bitcast3A_989, %bitcast3A_1001 : vector<16xf32>
      %max3A_1076 = arith.maximumf %bitcast3A_1013, %bitcast3A_1025 : vector<16xf32>
      %min3A_1077 = arith.minimumf %bitcast3A_1013, %bitcast3A_1025 : vector<16xf32>
      %max3A_1078 = arith.maximumf %bitcast3A_1037, %bitcast3A_1049 : vector<16xf32>
      %min3A_1079 = arith.minimumf %bitcast3A_1037, %bitcast3A_1049 : vector<16xf32>
      %max3A_1080 = arith.maximumf %bitcast3A_1061, %bitcast3A_1073 : vector<16xf32>
      %min3A_1081 = arith.minimumf %bitcast3A_1061, %bitcast3A_1073 : vector<16xf32>
      %max3A_1082 = arith.maximumf %max3A_1074, %max3A_1076 : vector<16xf32>
      %min3A_1083 = arith.minimumf %max3A_1074, %max3A_1076 : vector<16xf32>
      %max3A_1084 = arith.maximumf %min3A_1075, %min3A_1077 : vector<16xf32>
      %min3A_1085 = arith.minimumf %min3A_1075, %min3A_1077 : vector<16xf32>
      %max3A_1086 = arith.maximumf %max3A_1078, %max3A_1080 : vector<16xf32>
      %min3A_1087 = arith.minimumf %max3A_1078, %max3A_1080 : vector<16xf32>
      %max3A_1088 = arith.maximumf %min3A_1079, %min3A_1081 : vector<16xf32>
      %min3A_1089 = arith.minimumf %min3A_1079, %min3A_1081 : vector<16xf32>
      %max3A_1090 = arith.maximumf %max3A_1084, %min3A_1083 : vector<16xf32>
      %min3A_1091 = arith.minimumf %max3A_1084, %min3A_1083 : vector<16xf32>
      %max3A_1092 = arith.maximumf %max3A_1088, %min3A_1087 : vector<16xf32>
      %min3A_1093 = arith.minimumf %max3A_1088, %min3A_1087 : vector<16xf32>
      %max3A_1094 = arith.maximumf %max3A_1082, %max3A_1086 : vector<16xf32>
      %min3A_1095 = arith.minimumf %max3A_1082, %max3A_1086 : vector<16xf32>
      %max3A_1096 = arith.maximumf %max3A_1090, %max3A_1092 : vector<16xf32>
      %min3A_1097 = arith.minimumf %max3A_1090, %max3A_1092 : vector<16xf32>
      %max3A_1098 = arith.maximumf %min3A_1091, %min3A_1093 : vector<16xf32>
      %min3A_1099 = arith.minimumf %min3A_1091, %min3A_1093 : vector<16xf32>
      %max3A_1100 = arith.maximumf %min3A_1085, %min3A_1089 : vector<16xf32>
      %min3A_1101 = arith.minimumf %min3A_1085, %min3A_1089 : vector<16xf32>
      %max3A_1102 = arith.maximumf %max3A_1098, %min3A_1095 : vector<16xf32>
      %min3A_1103 = arith.minimumf %max3A_1098, %min3A_1095 : vector<16xf32>
      %max3A_1104 = arith.maximumf %max3A_1100, %min3A_1097 : vector<16xf32>
      %min3A_1105 = arith.minimumf %max3A_1100, %min3A_1097 : vector<16xf32>
      %max3A_1106 = arith.maximumf %max3A_1096, %max3A_1102 : vector<16xf32>
      %min3A_1107 = arith.minimumf %max3A_1096, %max3A_1102 : vector<16xf32>
      %max3A_1108 = arith.maximumf %max3A_1104, %min3A_1103 : vector<16xf32>
      %min3A_1109 = arith.minimumf %max3A_1104, %min3A_1103 : vector<16xf32>
      %max3A_1110 = arith.maximumf %min3A_1105, %min3A_1099 : vector<16xf32>
      %min3A_1111 = arith.minimumf %min3A_1105, %min3A_1099 : vector<16xf32>
      %max3A_1112 = arith.maximumf %max3A_970, %min3A_1101 : vector<16xf32>
      %max3A_1113 = arith.maximumf %min3A_971, %min3A_1111 : vector<16xf32>
      %max3A_1114 = arith.maximumf %max3A_972, %max3A_1110 : vector<16xf32>
      %max3A_1115 = arith.maximumf %min3A_973, %min3A_1109 : vector<16xf32>
      %max3A_1116 = arith.maximumf %max3A_974, %max3A_1108 : vector<16xf32>
      %max3A_1117 = arith.maximumf %min3A_975, %min3A_1107 : vector<16xf32>
      %max3A_1118 = arith.maximumf %max3A_976, %max3A_1106 : vector<16xf32>
      %max3A_1119 = arith.maximumf %min3A_977, %max3A_1094 : vector<16xf32>
      %max3A_1120 = arith.maximumf %max3A_1112, %max3A_1116 : vector<16xf32>
      %min3A_1121 = arith.minimumf %max3A_1112, %max3A_1116 : vector<16xf32>
      %max3A_1122 = arith.maximumf %max3A_1113, %max3A_1117 : vector<16xf32>
      %min3A_1123 = arith.minimumf %max3A_1113, %max3A_1117 : vector<16xf32>
      %max3A_1124 = arith.maximumf %max3A_1114, %max3A_1118 : vector<16xf32>
      %min3A_1125 = arith.minimumf %max3A_1114, %max3A_1118 : vector<16xf32>
      %max3A_1126 = arith.maximumf %max3A_1115, %max3A_1119 : vector<16xf32>
      %min3A_1127 = arith.minimumf %max3A_1115, %max3A_1119 : vector<16xf32>
      %max3A_1128 = arith.maximumf %max3A_1120, %max3A_1124 : vector<16xf32>
      %min3A_1129 = arith.minimumf %max3A_1120, %max3A_1124 : vector<16xf32>
      %max3A_1130 = arith.maximumf %max3A_1122, %max3A_1126 : vector<16xf32>
      %min3A_1131 = arith.minimumf %max3A_1122, %max3A_1126 : vector<16xf32>
      %max3A_1132 = arith.maximumf %min3A_1121, %min3A_1125 : vector<16xf32>
      %min3A_1133 = arith.minimumf %min3A_1121, %min3A_1125 : vector<16xf32>
      %max3A_1134 = arith.maximumf %min3A_1123, %min3A_1127 : vector<16xf32>
      %min3A_1135 = arith.minimumf %min3A_1123, %min3A_1127 : vector<16xf32>
      %max3A_1136 = arith.maximumf %max3A_1128, %max3A_1130 : vector<16xf32>
      %min3A_1137 = arith.minimumf %max3A_1128, %max3A_1130 : vector<16xf32>
      %max3A_1138 = arith.maximumf %min3A_1129, %min3A_1131 : vector<16xf32>
      %min3A_1139 = arith.minimumf %min3A_1129, %min3A_1131 : vector<16xf32>
      %max3A_1140 = arith.maximumf %max3A_1132, %max3A_1134 : vector<16xf32>
      %min3A_1141 = arith.minimumf %max3A_1132, %max3A_1134 : vector<16xf32>
      %max3A_1142 = arith.maximumf %min3A_1133, %min3A_1135 : vector<16xf32>
      %min3A_1143 = arith.minimumf %min3A_1133, %min3A_1135 : vector<16xf32>
      %add3A_1144 = arith.constant 56 : i32
      %add3A_1145 = vector.broadcast %add3A_1144 : i32 to vector<16xi32>
      %add3A_1146 = arith.addi %mul3A_19, %add3A_1145 : vector<16xi32>
      %gather3A_1147 = tpu.vector_load_idx %arg6[%add3A_1146] : memref<33280xf32, #tpu.memory_space<vmem>>[vector<16xi32>], vector<16xf32>,
      %bitcast3A_1148 = vector.bitcast %gather3A_1147 : vector<16xf32> to vector<16xi32>
      %and3A_1149 = arith.constant -64 : i32
      %and3A_1150 = vector.broadcast %and3A_1149 : i32 to vector<16xi32>
      %and3A_1151 = arith.andi %bitcast3A_1148, %and3A_1150 : vector<16xi32>
      %or3A_1152 = arith.constant 7 : i32
      %or3A_1153 = vector.broadcast %or3A_1152 : i32 to vector<16xi32>
      %or3A_1154 = arith.ori %and3A_1151, %or3A_1153 : vector<16xi32>
      %bitcast3A_1155 = vector.bitcast %or3A_1154 : vector<16xi32> to vector<16xf32>
      %add3A_1156 = arith.constant 57 : i32
      %add3A_1157 = vector.broadcast %add3A_1156 : i32 to vector<16xi32>
      %add3A_1158 = arith.addi %mul3A_19, %add3A_1157 : vector<16xi32>
      %gather3A_1159 = tpu.vector_load_idx %arg6[%add3A_1158] : memref<33280xf32, #tpu.memory_space<vmem>>[vector<16xi32>], vector<16xf32>,
      %bitcast3A_1160 = vector.bitcast %gather3A_1159 : vector<16xf32> to vector<16xi32>
      %and3A_1161 = arith.constant -64 : i32
      %and3A_1162 = vector.broadcast %and3A_1161 : i32 to vector<16xi32>
      %and3A_1163 = arith.andi %bitcast3A_1160, %and3A_1162 : vector<16xi32>
      %or3A_1164 = arith.constant 6 : i32
      %or3A_1165 = vector.broadcast %or3A_1164 : i32 to vector<16xi32>
      %or3A_1166 = arith.ori %and3A_1163, %or3A_1165 : vector<16xi32>
      %bitcast3A_1167 = vector.bitcast %or3A_1166 : vector<16xi32> to vector<16xf32>
      %add3A_1168 = arith.constant 58 : i32
      %add3A_1169 = vector.broadcast %add3A_1168 : i32 to vector<16xi32>
      %add3A_1170 = arith.addi %mul3A_19, %add3A_1169 : vector<16xi32>
      %gather3A_1171 = tpu.vector_load_idx %arg6[%add3A_1170] : memref<33280xf32, #tpu.memory_space<vmem>>[vector<16xi32>], vector<16xf32>,
      %bitcast3A_1172 = vector.bitcast %gather3A_1171 : vector<16xf32> to vector<16xi32>
      %and3A_1173 = arith.constant -64 : i32
      %and3A_1174 = vector.broadcast %and3A_1173 : i32 to vector<16xi32>
      %and3A_1175 = arith.andi %bitcast3A_1172, %and3A_1174 : vector<16xi32>
      %or3A_1176 = arith.constant 5 : i32
      %or3A_1177 = vector.broadcast %or3A_1176 : i32 to vector<16xi32>
      %or3A_1178 = arith.ori %and3A_1175, %or3A_1177 : vector<16xi32>
      %bitcast3A_1179 = vector.bitcast %or3A_1178 : vector<16xi32> to vector<16xf32>
      %add3A_1180 = arith.constant 59 : i32
      %add3A_1181 = vector.broadcast %add3A_1180 : i32 to vector<16xi32>
      %add3A_1182 = arith.addi %mul3A_19, %add3A_1181 : vector<16xi32>
      %gather3A_1183 = tpu.vector_load_idx %arg6[%add3A_1182] : memref<33280xf32, #tpu.memory_space<vmem>>[vector<16xi32>], vector<16xf32>,
      %bitcast3A_1184 = vector.bitcast %gather3A_1183 : vector<16xf32> to vector<16xi32>
      %and3A_1185 = arith.constant -64 : i32
      %and3A_1186 = vector.broadcast %and3A_1185 : i32 to vector<16xi32>
      %and3A_1187 = arith.andi %bitcast3A_1184, %and3A_1186 : vector<16xi32>
      %or3A_1188 = arith.constant 4 : i32
      %or3A_1189 = vector.broadcast %or3A_1188 : i32 to vector<16xi32>
      %or3A_1190 = arith.ori %and3A_1187, %or3A_1189 : vector<16xi32>
      %bitcast3A_1191 = vector.bitcast %or3A_1190 : vector<16xi32> to vector<16xf32>
      %add3A_1192 = arith.constant 60 : i32
      %add3A_1193 = vector.broadcast %add3A_1192 : i32 to vector<16xi32>
      %add3A_1194 = arith.addi %mul3A_19, %add3A_1193 : vector<16xi32>
      %gather3A_1195 = tpu.vector_load_idx %arg6[%add3A_1194] : memref<33280xf32, #tpu.memory_space<vmem>>[vector<16xi32>], vector<16xf32>,
      %bitcast3A_1196 = vector.bitcast %gather3A_1195 : vector<16xf32> to vector<16xi32>
      %and3A_1197 = arith.constant -64 : i32
      %and3A_1198 = vector.broadcast %and3A_1197 : i32 to vector<16xi32>
      %and3A_1199 = arith.andi %bitcast3A_1196, %and3A_1198 : vector<16xi32>
      %or3A_1200 = arith.constant 3 : i32
      %or3A_1201 = vector.broadcast %or3A_1200 : i32 to vector<16xi32>
      %or3A_1202 = arith.ori %and3A_1199, %or3A_1201 : vector<16xi32>
      %bitcast3A_1203 = vector.bitcast %or3A_1202 : vector<16xi32> to vector<16xf32>
      %add3A_1204 = arith.constant 61 : i32
      %add3A_1205 = vector.broadcast %add3A_1204 : i32 to vector<16xi32>
      %add3A_1206 = arith.addi %mul3A_19, %add3A_1205 : vector<16xi32>
      %gather3A_1207 = tpu.vector_load_idx %arg6[%add3A_1206] : memref<33280xf32, #tpu.memory_space<vmem>>[vector<16xi32>], vector<16xf32>,
      %bitcast3A_1208 = vector.bitcast %gather3A_1207 : vector<16xf32> to vector<16xi32>
      %and3A_1209 = arith.constant -64 : i32
      %and3A_1210 = vector.broadcast %and3A_1209 : i32 to vector<16xi32>
      %and3A_1211 = arith.andi %bitcast3A_1208, %and3A_1210 : vector<16xi32>
      %or3A_1212 = arith.constant 2 : i32
      %or3A_1213 = vector.broadcast %or3A_1212 : i32 to vector<16xi32>
      %or3A_1214 = arith.ori %and3A_1211, %or3A_1213 : vector<16xi32>
      %bitcast3A_1215 = vector.bitcast %or3A_1214 : vector<16xi32> to vector<16xf32>
      %add3A_1216 = arith.constant 62 : i32
      %add3A_1217 = vector.broadcast %add3A_1216 : i32 to vector<16xi32>
      %add3A_1218 = arith.addi %mul3A_19, %add3A_1217 : vector<16xi32>
      %gather3A_1219 = tpu.vector_load_idx %arg6[%add3A_1218] : memref<33280xf32, #tpu.memory_space<vmem>>[vector<16xi32>], vector<16xf32>,
      %bitcast3A_1220 = vector.bitcast %gather3A_1219 : vector<16xf32> to vector<16xi32>
      %and3A_1221 = arith.constant -64 : i32
      %and3A_1222 = vector.broadcast %and3A_1221 : i32 to vector<16xi32>
      %and3A_1223 = arith.andi %bitcast3A_1220, %and3A_1222 : vector<16xi32>
      %or3A_1224 = arith.constant 1 : i32
      %or3A_1225 = vector.broadcast %or3A_1224 : i32 to vector<16xi32>
      %or3A_1226 = arith.ori %and3A_1223, %or3A_1225 : vector<16xi32>
      %bitcast3A_1227 = vector.bitcast %or3A_1226 : vector<16xi32> to vector<16xf32>
      %add3A_1228 = arith.constant 63 : i32
      %add3A_1229 = vector.broadcast %add3A_1228 : i32 to vector<16xi32>
      %add3A_1230 = arith.addi %mul3A_19, %add3A_1229 : vector<16xi32>
      %gather3A_1231 = tpu.vector_load_idx %arg6[%add3A_1230] : memref<33280xf32, #tpu.memory_space<vmem>>[vector<16xi32>], vector<16xf32>,
      %bitcast3A_1232 = vector.bitcast %gather3A_1231 : vector<16xf32> to vector<16xi32>
      %and3A_1233 = arith.constant -64 : i32
      %and3A_1234 = vector.broadcast %and3A_1233 : i32 to vector<16xi32>
      %and3A_1235 = arith.andi %bitcast3A_1232, %and3A_1234 : vector<16xi32>
      %or3A_1236 = arith.constant 0 : i32
      %or3A_1237 = vector.broadcast %or3A_1236 : i32 to vector<16xi32>
      %or3A_1238 = arith.ori %and3A_1235, %or3A_1237 : vector<16xi32>
      %bitcast3A_1239 = vector.bitcast %or3A_1238 : vector<16xi32> to vector<16xf32>
      %max3A_1240 = arith.maximumf %bitcast3A_1155, %bitcast3A_1167 : vector<16xf32>
      %min3A_1241 = arith.minimumf %bitcast3A_1155, %bitcast3A_1167 : vector<16xf32>
      %max3A_1242 = arith.maximumf %bitcast3A_1179, %bitcast3A_1191 : vector<16xf32>
      %min3A_1243 = arith.minimumf %bitcast3A_1179, %bitcast3A_1191 : vector<16xf32>
      %max3A_1244 = arith.maximumf %bitcast3A_1203, %bitcast3A_1215 : vector<16xf32>
      %min3A_1245 = arith.minimumf %bitcast3A_1203, %bitcast3A_1215 : vector<16xf32>
      %max3A_1246 = arith.maximumf %bitcast3A_1227, %bitcast3A_1239 : vector<16xf32>
      %min3A_1247 = arith.minimumf %bitcast3A_1227, %bitcast3A_1239 : vector<16xf32>
      %max3A_1248 = arith.maximumf %max3A_1240, %max3A_1242 : vector<16xf32>
      %min3A_1249 = arith.minimumf %max3A_1240, %max3A_1242 : vector<16xf32>
      %max3A_1250 = arith.maximumf %min3A_1241, %min3A_1243 : vector<16xf32>
      %min3A_1251 = arith.minimumf %min3A_1241, %min3A_1243 : vector<16xf32>
      %max3A_1252 = arith.maximumf %max3A_1244, %max3A_1246 : vector<16xf32>
      %min3A_1253 = arith.minimumf %max3A_1244, %max3A_1246 : vector<16xf32>
      %max3A_1254 = arith.maximumf %min3A_1245, %min3A_1247 : vector<16xf32>
      %min3A_1255 = arith.minimumf %min3A_1245, %min3A_1247 : vector<16xf32>
      %max3A_1256 = arith.maximumf %max3A_1250, %min3A_1249 : vector<16xf32>
      %min3A_1257 = arith.minimumf %max3A_1250, %min3A_1249 : vector<16xf32>
      %max3A_1258 = arith.maximumf %max3A_1254, %min3A_1253 : vector<16xf32>
      %min3A_1259 = arith.minimumf %max3A_1254, %min3A_1253 : vector<16xf32>
      %max3A_1260 = arith.maximumf %max3A_1248, %max3A_1252 : vector<16xf32>
      %min3A_1261 = arith.minimumf %max3A_1248, %max3A_1252 : vector<16xf32>
      %max3A_1262 = arith.maximumf %max3A_1256, %max3A_1258 : vector<16xf32>
      %min3A_1263 = arith.minimumf %max3A_1256, %max3A_1258 : vector<16xf32>
      %max3A_1264 = arith.maximumf %min3A_1257, %min3A_1259 : vector<16xf32>
      %min3A_1265 = arith.minimumf %min3A_1257, %min3A_1259 : vector<16xf32>
      %max3A_1266 = arith.maximumf %min3A_1251, %min3A_1255 : vector<16xf32>
      %min3A_1267 = arith.minimumf %min3A_1251, %min3A_1255 : vector<16xf32>
      %max3A_1268 = arith.maximumf %max3A_1264, %min3A_1261 : vector<16xf32>
      %min3A_1269 = arith.minimumf %max3A_1264, %min3A_1261 : vector<16xf32>
      %max3A_1270 = arith.maximumf %max3A_1266, %min3A_1263 : vector<16xf32>
      %min3A_1271 = arith.minimumf %max3A_1266, %min3A_1263 : vector<16xf32>
      %max3A_1272 = arith.maximumf %max3A_1262, %max3A_1268 : vector<16xf32>
      %min3A_1273 = arith.minimumf %max3A_1262, %max3A_1268 : vector<16xf32>
      %max3A_1274 = arith.maximumf %max3A_1270, %min3A_1269 : vector<16xf32>
      %min3A_1275 = arith.minimumf %max3A_1270, %min3A_1269 : vector<16xf32>
      %max3A_1276 = arith.maximumf %min3A_1271, %min3A_1265 : vector<16xf32>
      %min3A_1277 = arith.minimumf %min3A_1271, %min3A_1265 : vector<16xf32>
      %max3A_1278 = arith.maximumf %max3A_1136, %min3A_1267 : vector<16xf32>
      %max3A_1279 = arith.maximumf %min3A_1137, %min3A_1277 : vector<16xf32>
      %max3A_1280 = arith.maximumf %max3A_1138, %max3A_1276 : vector<16xf32>
      %max3A_1281 = arith.maximumf %min3A_1139, %min3A_1275 : vector<16xf32>
      %max3A_1282 = arith.maximumf %max3A_1140, %max3A_1274 : vector<16xf32>
      %max3A_1283 = arith.maximumf %min3A_1141, %min3A_1273 : vector<16xf32>
      %max3A_1284 = arith.maximumf %max3A_1142, %max3A_1272 : vector<16xf32>
      %max3A_1285 = arith.maximumf %min3A_1143, %max3A_1260 : vector<16xf32>
      %max3A_1286 = arith.maximumf %max3A_1278, %max3A_1282 : vector<16xf32>
      %min3A_1287 = arith.minimumf %max3A_1278, %max3A_1282 : vector<16xf32>
      %max3A_1288 = arith.maximumf %max3A_1279, %max3A_1283 : vector<16xf32>
      %min3A_1289 = arith.minimumf %max3A_1279, %max3A_1283 : vector<16xf32>
      %max3A_1290 = arith.maximumf %max3A_1280, %max3A_1284 : vector<16xf32>
      %min3A_1291 = arith.minimumf %max3A_1280, %max3A_1284 : vector<16xf32>
      %max3A_1292 = arith.maximumf %max3A_1281, %max3A_1285 : vector<16xf32>
      %min3A_1293 = arith.minimumf %max3A_1281, %max3A_1285 : vector<16xf32>
      %max3A_1294 = arith.maximumf %max3A_1286, %max3A_1290 : vector<16xf32>
      %min3A_1295 = arith.minimumf %max3A_1286, %max3A_1290 : vector<16xf32>
      %max3A_1296 = arith.maximumf %max3A_1288, %max3A_1292 : vector<16xf32>
      %min3A_1297 = arith.minimumf %max3A_1288, %max3A_1292 : vector<16xf32>
      %max3A_1298 = arith.maximumf %min3A_1287, %min3A_1291 : vector<16xf32>
      %min3A_1299 = arith.minimumf %min3A_1287, %min3A_1291 : vector<16xf32>
      %max3A_1300 = arith.maximumf %min3A_1289, %min3A_1293 : vector<16xf32>
      %min3A_1301 = arith.minimumf %min3A_1289, %min3A_1293 : vector<16xf32>
      %max3A_1302 = arith.maximumf %max3A_1294, %max3A_1296 : vector<16xf32>
      %min3A_1303 = arith.minimumf %max3A_1294, %max3A_1296 : vector<16xf32>
      %max3A_1304 = arith.maximumf %min3A_1295, %min3A_1297 : vector<16xf32>
      %min3A_1305 = arith.minimumf %min3A_1295, %min3A_1297 : vector<16xf32>
      %max3A_1306 = arith.maximumf %max3A_1298, %max3A_1300 : vector<16xf32>
      %min3A_1307 = arith.minimumf %max3A_1298, %max3A_1300 : vector<16xf32>
      %max3A_1308 = arith.maximumf %min3A_1299, %min3A_1301 : vector<16xf32>
      %min3A_1309 = arith.minimumf %min3A_1299, %min3A_1301 : vector<16xf32>
      %bitcast3A_1310 = vector.bitcast %max3A_1302 : vector<16xf32> to vector<16xi32>
      %and3A_1311 = arith.constant 63 : i32
      %and3A_1312 = vector.broadcast %and3A_1311 : i32 to vector<16xi32>
      %and3A_1313 = arith.andi %bitcast3A_1310, %and3A_1312 : vector<16xi32>
      %sub3A = arith.constant 63 : i32
      %sub3A_1314 = vector.broadcast %sub3A : i32 to vector<16xi32>
      %sub3A_1315 = arith.subi %sub3A_1314, %and3A_1313 : vector<16xi32>
      %bitcast3A_1316 = vector.bitcast %min3A_1303 : vector<16xf32> to vector<16xi32>
      %and3A_1317 = arith.constant 63 : i32
      %and3A_1318 = vector.broadcast %and3A_1317 : i32 to vector<16xi32>
      %and3A_1319 = arith.andi %bitcast3A_1316, %and3A_1318 : vector<16xi32>
      %sub3A_1320 = arith.constant 63 : i32
      %sub3A_1321 = vector.broadcast %sub3A_1320 : i32 to vector<16xi32>
      %sub3A_1322 = arith.subi %sub3A_1321, %and3A_1319 : vector<16xi32>
      %bitcast3A_1323 = vector.bitcast %max3A_1304 : vector<16xf32> to vector<16xi32>
      %and3A_1324 = arith.constant 63 : i32
      %and3A_1325 = vector.broadcast %and3A_1324 : i32 to vector<16xi32>
      %and3A_1326 = arith.andi %bitcast3A_1323, %and3A_1325 : vector<16xi32>
      %sub3A_1327 = arith.constant 63 : i32
      %sub3A_1328 = vector.broadcast %sub3A_1327 : i32 to vector<16xi32>
      %sub3A_1329 = arith.subi %sub3A_1328, %and3A_1326 : vector<16xi32>
      %bitcast3A_1330 = vector.bitcast %min3A_1305 : vector<16xf32> to vector<16xi32>
      %and3A_1331 = arith.constant 63 : i32
      %and3A_1332 = vector.broadcast %and3A_1331 : i32 to vector<16xi32>
      %and3A_1333 = arith.andi %bitcast3A_1330, %and3A_1332 : vector<16xi32>
      %sub3A_1334 = arith.constant 63 : i32
      %sub3A_1335 = vector.broadcast %sub3A_1334 : i32 to vector<16xi32>
      %sub3A_1336 = arith.subi %sub3A_1335, %and3A_1333 : vector<16xi32>
      %bitcast3A_1337 = vector.bitcast %max3A_1306 : vector<16xf32> to vector<16xi32>
      %and3A_1338 = arith.constant 63 : i32
      %and3A_1339 = vector.broadcast %and3A_1338 : i32 to vector<16xi32>
      %and3A_1340 = arith.andi %bitcast3A_1337, %and3A_1339 : vector<16xi32>
      %sub3A_1341 = arith.constant 63 : i32
      %sub3A_1342 = vector.broadcast %sub3A_1341 : i32 to vector<16xi32>
      %sub3A_1343 = arith.subi %sub3A_1342, %and3A_1340 : vector<16xi32>
      %bitcast3A_1344 = vector.bitcast %min3A_1307 : vector<16xf32> to vector<16xi32>
      %and3A_1345 = arith.constant 63 : i32
      %and3A_1346 = vector.broadcast %and3A_1345 : i32 to vector<16xi32>
      %and3A_1347 = arith.andi %bitcast3A_1344, %and3A_1346 : vector<16xi32>
      %sub3A_1348 = arith.constant 63 : i32
      %sub3A_1349 = vector.broadcast %sub3A_1348 : i32 to vector<16xi32>
      %sub3A_1350 = arith.subi %sub3A_1349, %and3A_1347 : vector<16xi32>
      %bitcast3A_1351 = vector.bitcast %max3A_1308 : vector<16xf32> to vector<16xi32>
      %and3A_1352 = arith.constant 63 : i32
      %and3A_1353 = vector.broadcast %and3A_1352 : i32 to vector<16xi32>
      %and3A_1354 = arith.andi %bitcast3A_1351, %and3A_1353 : vector<16xi32>
      %sub3A_1355 = arith.constant 63 : i32
      %sub3A_1356 = vector.broadcast %sub3A_1355 : i32 to vector<16xi32>
      %sub3A_1357 = arith.subi %sub3A_1356, %and3A_1354 : vector<16xi32>
      %bitcast3A_1358 = vector.bitcast %min3A_1309 : vector<16xf32> to vector<16xi32>
      %and3A_1359 = arith.constant 63 : i32
      %and3A_1360 = vector.broadcast %and3A_1359 : i32 to vector<16xi32>
      %and3A_1361 = arith.andi %bitcast3A_1358, %and3A_1360 : vector<16xi32>
      %sub3A_1362 = arith.constant 63 : i32
      %sub3A_1363 = vector.broadcast %sub3A_1362 : i32 to vector<16xi32>
      %sub3A_1364 = arith.subi %sub3A_1363, %and3A_1361 : vector<16xi32>
      %add3A_1365 = arith.addi %mul3A_19, %sub3A_1315 : vector<16xi32>
      %gather3A_1366 = tpu.vector_load_idx %arg6[%add3A_1365] : memref<33280xf32, #tpu.memory_space<vmem>>[vector<16xi32>], vector<16xf32>,
      %add3A_1367 = arith.addi %mul3A_19, %sub3A_1322 : vector<16xi32>
      %gather3A_1368 = tpu.vector_load_idx %arg6[%add3A_1367] : memref<33280xf32, #tpu.memory_space<vmem>>[vector<16xi32>], vector<16xf32>,
      %add3A_1369 = arith.addi %mul3A_19, %sub3A_1329 : vector<16xi32>
      %gather3A_1370 = tpu.vector_load_idx %arg6[%add3A_1369] : memref<33280xf32, #tpu.memory_space<vmem>>[vector<16xi32>], vector<16xf32>,
      %add3A_1371 = arith.addi %mul3A_19, %sub3A_1336 : vector<16xi32>
      %gather3A_1372 = tpu.vector_load_idx %arg6[%add3A_1371] : memref<33280xf32, #tpu.memory_space<vmem>>[vector<16xi32>], vector<16xf32>,
      %add3A_1373 = arith.addi %mul3A_19, %sub3A_1343 : vector<16xi32>
      %gather3A_1374 = tpu.vector_load_idx %arg6[%add3A_1373] : memref<33280xf32, #tpu.memory_space<vmem>>[vector<16xi32>], vector<16xf32>,
      %add3A_1375 = arith.addi %mul3A_19, %sub3A_1350 : vector<16xi32>
      %gather3A_1376 = tpu.vector_load_idx %arg6[%add3A_1375] : memref<33280xf32, #tpu.memory_space<vmem>>[vector<16xi32>], vector<16xf32>,
      %add3A_1377 = arith.addi %mul3A_19, %sub3A_1357 : vector<16xi32>
      %gather3A_1378 = tpu.vector_load_idx %arg6[%add3A_1377] : memref<33280xf32, #tpu.memory_space<vmem>>[vector<16xi32>], vector<16xf32>,
      %add3A_1379 = arith.addi %mul3A_19, %sub3A_1364 : vector<16xi32>
      %gather3A_1380 = tpu.vector_load_idx %arg6[%add3A_1379] : memref<33280xf32, #tpu.memory_space<vmem>>[vector<16xi32>], vector<16xf32>,
      %ge3A = arith.cmpf oge, %gather3A_1366, %gather3A_1368 : vector<16xf32>
      %select_n3A = arith.select %ge3A, %gather3A_1366, %gather3A_1368 : vector<16xi1>, vector<16xf32>
      %select_n3A_1381 = arith.select %ge3A, %gather3A_1368, %gather3A_1366 : vector<16xi1>, vector<16xf32>
      %select_n3A_1382 = arith.select %ge3A, %sub3A_1315, %sub3A_1322 : vector<16xi1>, vector<16xi32>
      %select_n3A_1383 = arith.select %ge3A, %sub3A_1322, %sub3A_1315 : vector<16xi1>, vector<16xi32>
      %ge3A_1384 = arith.cmpf oge, %gather3A_1370, %gather3A_1372 : vector<16xf32>
      %select_n3A_1385 = arith.select %ge3A_1384, %gather3A_1370, %gather3A_1372 : vector<16xi1>, vector<16xf32>
      %select_n3A_1386 = arith.select %ge3A_1384, %gather3A_1372, %gather3A_1370 : vector<16xi1>, vector<16xf32>
      %select_n3A_1387 = arith.select %ge3A_1384, %sub3A_1329, %sub3A_1336 : vector<16xi1>, vector<16xi32>
      %select_n3A_1388 = arith.select %ge3A_1384, %sub3A_1336, %sub3A_1329 : vector<16xi1>, vector<16xi32>
      %ge3A_1389 = arith.cmpf oge, %gather3A_1374, %gather3A_1376 : vector<16xf32>
      %select_n3A_1390 = arith.select %ge3A_1389, %gather3A_1374, %gather3A_1376 : vector<16xi1>, vector<16xf32>
      %select_n3A_1391 = arith.select %ge3A_1389, %gather3A_1376, %gather3A_1374 : vector<16xi1>, vector<16xf32>
      %select_n3A_1392 = arith.select %ge3A_1389, %sub3A_1343, %sub3A_1350 : vector<16xi1>, vector<16xi32>
      %select_n3A_1393 = arith.select %ge3A_1389, %sub3A_1350, %sub3A_1343 : vector<16xi1>, vector<16xi32>
      %ge3A_1394 = arith.cmpf oge, %gather3A_1378, %gather3A_1380 : vector<16xf32>
      %select_n3A_1395 = arith.select %ge3A_1394, %gather3A_1378, %gather3A_1380 : vector<16xi1>, vector<16xf32>
      %select_n3A_1396 = arith.select %ge3A_1394, %gather3A_1380, %gather3A_1378 : vector<16xi1>, vector<16xf32>
      %select_n3A_1397 = arith.select %ge3A_1394, %sub3A_1357, %sub3A_1364 : vector<16xi1>, vector<16xi32>
      %select_n3A_1398 = arith.select %ge3A_1394, %sub3A_1364, %sub3A_1357 : vector<16xi1>, vector<16xi32>
      %ge3A_1399 = arith.cmpf oge, %select_n3A_1381, %select_n3A_1385 : vector<16xf32>
      %select_n3A_1400 = arith.select %ge3A_1399, %select_n3A_1381, %select_n3A_1385 : vector<16xi1>, vector<16xf32>
      %select_n3A_1401 = arith.select %ge3A_1399, %select_n3A_1385, %select_n3A_1381 : vector<16xi1>, vector<16xf32>
      %select_n3A_1402 = arith.select %ge3A_1399, %select_n3A_1383, %select_n3A_1387 : vector<16xi1>, vector<16xi32>
      %select_n3A_1403 = arith.select %ge3A_1399, %select_n3A_1387, %select_n3A_1383 : vector<16xi1>, vector<16xi32>
      %ge3A_1404 = arith.cmpf oge, %select_n3A_1386, %select_n3A_1390 : vector<16xf32>
      %select_n3A_1405 = arith.select %ge3A_1404, %select_n3A_1386, %select_n3A_1390 : vector<16xi1>, vector<16xf32>
      %select_n3A_1406 = arith.select %ge3A_1404, %select_n3A_1390, %select_n3A_1386 : vector<16xi1>, vector<16xf32>
      %select_n3A_1407 = arith.select %ge3A_1404, %select_n3A_1388, %select_n3A_1392 : vector<16xi1>, vector<16xi32>
      %select_n3A_1408 = arith.select %ge3A_1404, %select_n3A_1392, %select_n3A_1388 : vector<16xi1>, vector<16xi32>
      %ge3A_1409 = arith.cmpf oge, %select_n3A_1391, %select_n3A_1395 : vector<16xf32>
      %select_n3A_1410 = arith.select %ge3A_1409, %select_n3A_1391, %select_n3A_1395 : vector<16xi1>, vector<16xf32>
      %select_n3A_1411 = arith.select %ge3A_1409, %select_n3A_1395, %select_n3A_1391 : vector<16xi1>, vector<16xf32>
      %select_n3A_1412 = arith.select %ge3A_1409, %select_n3A_1393, %select_n3A_1397 : vector<16xi1>, vector<16xi32>
      %select_n3A_1413 = arith.select %ge3A_1409, %select_n3A_1397, %select_n3A_1393 : vector<16xi1>, vector<16xi32>
      %ge3A_1414 = arith.cmpf oge, %select_n3A, %select_n3A_1400 : vector<16xf32>
      %select_n3A_1415 = arith.select %ge3A_1414, %select_n3A, %select_n3A_1400 : vector<16xi1>, vector<16xf32>
      %select_n3A_1416 = arith.select %ge3A_1414, %select_n3A_1400, %select_n3A : vector<16xi1>, vector<16xf32>
      %select_n3A_1417 = arith.select %ge3A_1414, %select_n3A_1382, %select_n3A_1402 : vector<16xi1>, vector<16xi32>
      %select_n3A_1418 = arith.select %ge3A_1414, %select_n3A_1402, %select_n3A_1382 : vector<16xi1>, vector<16xi32>
      %ge3A_1419 = arith.cmpf oge, %select_n3A_1401, %select_n3A_1405 : vector<16xf32>
      %select_n3A_1420 = arith.select %ge3A_1419, %select_n3A_1401, %select_n3A_1405 : vector<16xi1>, vector<16xf32>
      %select_n3A_1421 = arith.select %ge3A_1419, %select_n3A_1405, %select_n3A_1401 : vector<16xi1>, vector<16xf32>
      %select_n3A_1422 = arith.select %ge3A_1419, %select_n3A_1403, %select_n3A_1407 : vector<16xi1>, vector<16xi32>
      %select_n3A_1423 = arith.select %ge3A_1419, %select_n3A_1407, %select_n3A_1403 : vector<16xi1>, vector<16xi32>
      %ge3A_1424 = arith.cmpf oge, %select_n3A_1406, %select_n3A_1410 : vector<16xf32>
      %select_n3A_1425 = arith.select %ge3A_1424, %select_n3A_1406, %select_n3A_1410 : vector<16xi1>, vector<16xf32>
      %select_n3A_1426 = arith.select %ge3A_1424, %select_n3A_1410, %select_n3A_1406 : vector<16xi1>, vector<16xf32>
      %select_n3A_1427 = arith.select %ge3A_1424, %select_n3A_1408, %select_n3A_1412 : vector<16xi1>, vector<16xi32>
      %select_n3A_1428 = arith.select %ge3A_1424, %select_n3A_1412, %select_n3A_1408 : vector<16xi1>, vector<16xi32>
      %ge3A_1429 = arith.cmpf oge, %select_n3A_1411, %select_n3A_1396 : vector<16xf32>
      %select_n3A_1430 = arith.select %ge3A_1429, %select_n3A_1411, %select_n3A_1396 : vector<16xi1>, vector<16xf32>
      %select_n3A_1431 = arith.select %ge3A_1429, %select_n3A_1396, %select_n3A_1411 : vector<16xi1>, vector<16xf32>
      %select_n3A_1432 = arith.select %ge3A_1429, %select_n3A_1413, %select_n3A_1398 : vector<16xi1>, vector<16xi32>
      %select_n3A_1433 = arith.select %ge3A_1429, %select_n3A_1398, %select_n3A_1413 : vector<16xi1>, vector<16xi32>
      %sub3A_1434 = arith.subf %select_n3A_1415, %select_n3A_1415 : vector<16xf32>
      %exp3A = math.exp %sub3A_1434 : vector<16xf32>
      %sub3A_1435 = arith.subf %select_n3A_1416, %select_n3A_1415 : vector<16xf32>
      %exp3A_1436 = math.exp %sub3A_1435 : vector<16xf32>
      %sub3A_1437 = arith.subf %select_n3A_1420, %select_n3A_1415 : vector<16xf32>
      %exp3A_1438 = math.exp %sub3A_1437 : vector<16xf32>
      %sub3A_1439 = arith.subf %select_n3A_1421, %select_n3A_1415 : vector<16xf32>
      %exp3A_1440 = math.exp %sub3A_1439 : vector<16xf32>
      %sub3A_1441 = arith.subf %select_n3A_1425, %select_n3A_1415 : vector<16xf32>
      %exp3A_1442 = math.exp %sub3A_1441 : vector<16xf32>
      %sub3A_1443 = arith.subf %select_n3A_1426, %select_n3A_1415 : vector<16xf32>
      %exp3A_1444 = math.exp %sub3A_1443 : vector<16xf32>
      %sub3A_1445 = arith.subf %select_n3A_1430, %select_n3A_1415 : vector<16xf32>
      %exp3A_1446 = math.exp %sub3A_1445 : vector<16xf32>
      %sub3A_1447 = arith.subf %select_n3A_1431, %select_n3A_1415 : vector<16xf32>
      %exp3A_1448 = math.exp %sub3A_1447 : vector<16xf32>
      %add3A_1449 = arith.addf %exp3A, %exp3A_1436 : vector<16xf32>
      %add3A_1450 = arith.addf %add3A_1449, %exp3A_1438 : vector<16xf32>
      %add3A_1451 = arith.addf %add3A_1450, %exp3A_1440 : vector<16xf32>
      %add3A_1452 = arith.addf %add3A_1451, %exp3A_1442 : vector<16xf32>
      %add3A_1453 = arith.addf %add3A_1452, %exp3A_1444 : vector<16xf32>
      %add3A_1454 = arith.addf %add3A_1453, %exp3A_1446 : vector<16xf32>
      %add3A_1455 = arith.addf %add3A_1454, %exp3A_1448 : vector<16xf32>
      %div3A = arith.constant 1.000000e+00 : f32
      %div3A_1456 = vector.broadcast %div3A : f32 to vector<16xf32>
      %div3A_1457 = arith.divf %div3A_1456, %add3A_1455 : vector<16xf32>
      %mul3A_1458 = arith.mulf %exp3A, %div3A_1457 : vector<16xf32>
      %mul3A_1459 = arith.constant 16 : i32
      %mul3A_1460 = arith.muli %scan3A_12, %mul3A_1459 : i32
      %swap3A = arith.constant 0 : i32
      %swap3A_1461 = arith.index_cast %swap3A : i32 to index
      %swap3A_1462 = arith.index_cast %mul3A_1460 : i32 to index
      %swap3A_1463 = tpu.vector_load %arg7[%swap3A_1461, %swap3A_1462] {strides = array<i32>} : memref<8x512xf32, #tpu.memory_space<vmem>>, vector<16xf32>,
      tpu.vector_store %arg7[%swap3A_1461, %swap3A_1462], %mul3A_1458 {strides = array<i32>} : memref<8x512xf32, #tpu.memory_space<vmem>>, vector<16xf32>,
      %mul3A_1464 = arith.constant 16 : i32
      %mul3A_1465 = arith.muli %scan3A_12, %mul3A_1464 : i32
      %swap3A_1466 = arith.constant 0 : i32
      %swap3A_1467 = arith.index_cast %swap3A_1466 : i32 to index
      %swap3A_1468 = arith.index_cast %mul3A_1465 : i32 to index
      %swap3A_1469 = tpu.vector_load %arg8[%swap3A_1467, %swap3A_1468] {strides = array<i32>} : memref<8x512xi32, #tpu.memory_space<vmem>>, vector<16xi32>,
      tpu.vector_store %arg8[%swap3A_1467, %swap3A_1468], %select_n3A_1417 {strides = array<i32>} : memref<8x512xi32, #tpu.memory_space<vmem>>, vector<16xi32>,
      %mul3A_1470 = arith.mulf %exp3A_1436, %div3A_1457 : vector<16xf32>
      %mul3A_1471 = arith.constant 16 : i32
      %mul3A_1472 = arith.muli %scan3A_12, %mul3A_1471 : i32
      %swap3A_1473 = arith.constant 1 : i32
      %swap3A_1474 = arith.index_cast %swap3A_1473 : i32 to index
      %swap3A_1475 = arith.index_cast %mul3A_1472 : i32 to index
      %swap3A_1476 = tpu.vector_load %arg7[%swap3A_1474, %swap3A_1475] {strides = array<i32>} : memref<8x512xf32, #tpu.memory_space<vmem>>, vector<16xf32>,
      tpu.vector_store %arg7[%swap3A_1474, %swap3A_1475], %mul3A_1470 {strides = array<i32>} : memref<8x512xf32, #tpu.memory_space<vmem>>, vector<16xf32>,
      %mul3A_1477 = arith.constant 16 : i32
      %mul3A_1478 = arith.muli %scan3A_12, %mul3A_1477 : i32
      %swap3A_1479 = arith.constant 1 : i32
      %swap3A_1480 = arith.index_cast %swap3A_1479 : i32 to index
      %swap3A_1481 = arith.index_cast %mul3A_1478 : i32 to index
      %swap3A_1482 = tpu.vector_load %arg8[%swap3A_1480, %swap3A_1481] {strides = array<i32>} : memref<8x512xi32, #tpu.memory_space<vmem>>, vector<16xi32>,
      tpu.vector_store %arg8[%swap3A_1480, %swap3A_1481], %select_n3A_1418 {strides = array<i32>} : memref<8x512xi32, #tpu.memory_space<vmem>>, vector<16xi32>,
      %mul3A_1483 = arith.mulf %exp3A_1438, %div3A_1457 : vector<16xf32>
      %mul3A_1484 = arith.constant 16 : i32
      %mul3A_1485 = arith.muli %scan3A_12, %mul3A_1484 : i32
      %swap3A_1486 = arith.constant 2 : i32
      %swap3A_1487 = arith.index_cast %swap3A_1486 : i32 to index
      %swap3A_1488 = arith.index_cast %mul3A_1485 : i32 to index
      %swap3A_1489 = tpu.vector_load %arg7[%swap3A_1487, %swap3A_1488] {strides = array<i32>} : memref<8x512xf32, #tpu.memory_space<vmem>>, vector<16xf32>,
      tpu.vector_store %arg7[%swap3A_1487, %swap3A_1488], %mul3A_1483 {strides = array<i32>} : memref<8x512xf32, #tpu.memory_space<vmem>>, vector<16xf32>,
      %mul3A_1490 = arith.constant 16 : i32
      %mul3A_1491 = arith.muli %scan3A_12, %mul3A_1490 : i32
      %swap3A_1492 = arith.constant 2 : i32
      %swap3A_1493 = arith.index_cast %swap3A_1492 : i32 to index
      %swap3A_1494 = arith.index_cast %mul3A_1491 : i32 to index
      %swap3A_1495 = tpu.vector_load %arg8[%swap3A_1493, %swap3A_1494] {strides = array<i32>} : memref<8x512xi32, #tpu.memory_space<vmem>>, vector<16xi32>,
      tpu.vector_store %arg8[%swap3A_1493, %swap3A_1494], %select_n3A_1422 {strides = array<i32>} : memref<8x512xi32, #tpu.memory_space<vmem>>, vector<16xi32>,
      %mul3A_1496 = arith.mulf %exp3A_1440, %div3A_1457 : vector<16xf32>
      %mul3A_1497 = arith.constant 16 : i32
      %mul3A_1498 = arith.muli %scan3A_12, %mul3A_1497 : i32
      %swap3A_1499 = arith.constant 3 : i32
      %swap3A_1500 = arith.index_cast %swap3A_1499 : i32 to index
      %swap3A_1501 = arith.index_cast %mul3A_1498 : i32 to index
      %swap3A_1502 = tpu.vector_load %arg7[%swap3A_1500, %swap3A_1501] {strides = array<i32>} : memref<8x512xf32, #tpu.memory_space<vmem>>, vector<16xf32>,
      tpu.vector_store %arg7[%swap3A_1500, %swap3A_1501], %mul3A_1496 {strides = array<i32>} : memref<8x512xf32, #tpu.memory_space<vmem>>, vector<16xf32>,
      %mul3A_1503 = arith.constant 16 : i32
      %mul3A_1504 = arith.muli %scan3A_12, %mul3A_1503 : i32
      %swap3A_1505 = arith.constant 3 : i32
      %swap3A_1506 = arith.index_cast %swap3A_1505 : i32 to index
      %swap3A_1507 = arith.index_cast %mul3A_1504 : i32 to index
      %swap3A_1508 = tpu.vector_load %arg8[%swap3A_1506, %swap3A_1507] {strides = array<i32>} : memref<8x512xi32, #tpu.memory_space<vmem>>, vector<16xi32>,
      tpu.vector_store %arg8[%swap3A_1506, %swap3A_1507], %select_n3A_1423 {strides = array<i32>} : memref<8x512xi32, #tpu.memory_space<vmem>>, vector<16xi32>,
      %mul3A_1509 = arith.mulf %exp3A_1442, %div3A_1457 : vector<16xf32>
      %mul3A_1510 = arith.constant 16 : i32
      %mul3A_1511 = arith.muli %scan3A_12, %mul3A_1510 : i32
      %swap3A_1512 = arith.constant 4 : i32
      %swap3A_1513 = arith.index_cast %swap3A_1512 : i32 to index
      %swap3A_1514 = arith.index_cast %mul3A_1511 : i32 to index
      %swap3A_1515 = tpu.vector_load %arg7[%swap3A_1513, %swap3A_1514] {strides = array<i32>} : memref<8x512xf32, #tpu.memory_space<vmem>>, vector<16xf32>,
      tpu.vector_store %arg7[%swap3A_1513, %swap3A_1514], %mul3A_1509 {strides = array<i32>} : memref<8x512xf32, #tpu.memory_space<vmem>>, vector<16xf32>,
      %mul3A_1516 = arith.constant 16 : i32
      %mul3A_1517 = arith.muli %scan3A_12, %mul3A_1516 : i32
      %swap3A_1518 = arith.constant 4 : i32
      %swap3A_1519 = arith.index_cast %swap3A_1518 : i32 to index
      %swap3A_1520 = arith.index_cast %mul3A_1517 : i32 to index
      %swap3A_1521 = tpu.vector_load %arg8[%swap3A_1519, %swap3A_1520] {strides = array<i32>} : memref<8x512xi32, #tpu.memory_space<vmem>>, vector<16xi32>,
      tpu.vector_store %arg8[%swap3A_1519, %swap3A_1520], %select_n3A_1427 {strides = array<i32>} : memref<8x512xi32, #tpu.memory_space<vmem>>, vector<16xi32>,
      %mul3A_1522 = arith.mulf %exp3A_1444, %div3A_1457 : vector<16xf32>
      %mul3A_1523 = arith.constant 16 : i32
      %mul3A_1524 = arith.muli %scan3A_12, %mul3A_1523 : i32
      %swap3A_1525 = arith.constant 5 : i32
      %swap3A_1526 = arith.index_cast %swap3A_1525 : i32 to index
      %swap3A_1527 = arith.index_cast %mul3A_1524 : i32 to index
      %swap3A_1528 = tpu.vector_load %arg7[%swap3A_1526, %swap3A_1527] {strides = array<i32>} : memref<8x512xf32, #tpu.memory_space<vmem>>, vector<16xf32>,
      tpu.vector_store %arg7[%swap3A_1526, %swap3A_1527], %mul3A_1522 {strides = array<i32>} : memref<8x512xf32, #tpu.memory_space<vmem>>, vector<16xf32>,
      %mul3A_1529 = arith.constant 16 : i32
      %mul3A_1530 = arith.muli %scan3A_12, %mul3A_1529 : i32
      %swap3A_1531 = arith.constant 5 : i32
      %swap3A_1532 = arith.index_cast %swap3A_1531 : i32 to index
      %swap3A_1533 = arith.index_cast %mul3A_1530 : i32 to index
      %swap3A_1534 = tpu.vector_load %arg8[%swap3A_1532, %swap3A_1533] {strides = array<i32>} : memref<8x512xi32, #tpu.memory_space<vmem>>, vector<16xi32>,
      tpu.vector_store %arg8[%swap3A_1532, %swap3A_1533], %select_n3A_1428 {strides = array<i32>} : memref<8x512xi32, #tpu.memory_space<vmem>>, vector<16xi32>,
      %mul3A_1535 = arith.mulf %exp3A_1446, %div3A_1457 : vector<16xf32>
      %mul3A_1536 = arith.constant 16 : i32
      %mul3A_1537 = arith.muli %scan3A_12, %mul3A_1536 : i32
      %swap3A_1538 = arith.constant 6 : i32
      %swap3A_1539 = arith.index_cast %swap3A_1538 : i32 to index
      %swap3A_1540 = arith.index_cast %mul3A_1537 : i32 to index
      %swap3A_1541 = tpu.vector_load %arg7[%swap3A_1539, %swap3A_1540] {strides = array<i32>} : memref<8x512xf32, #tpu.memory_space<vmem>>, vector<16xf32>,
      tpu.vector_store %arg7[%swap3A_1539, %swap3A_1540], %mul3A_1535 {strides = array<i32>} : memref<8x512xf32, #tpu.memory_space<vmem>>, vector<16xf32>,
      %mul3A_1542 = arith.constant 16 : i32
      %mul3A_1543 = arith.muli %scan3A_12, %mul3A_1542 : i32
      %swap3A_1544 = arith.constant 6 : i32
      %swap3A_1545 = arith.index_cast %swap3A_1544 : i32 to index
      %swap3A_1546 = arith.index_cast %mul3A_1543 : i32 to index
      %swap3A_1547 = tpu.vector_load %arg8[%swap3A_1545, %swap3A_1546] {strides = array<i32>} : memref<8x512xi32, #tpu.memory_space<vmem>>, vector<16xi32>,
      tpu.vector_store %arg8[%swap3A_1545, %swap3A_1546], %select_n3A_1432 {strides = array<i32>} : memref<8x512xi32, #tpu.memory_space<vmem>>, vector<16xi32>,
      %mul3A_1548 = arith.mulf %exp3A_1448, %div3A_1457 : vector<16xf32>
      %mul3A_1549 = arith.constant 16 : i32
      %mul3A_1550 = arith.muli %scan3A_12, %mul3A_1549 : i32
      %swap3A_1551 = arith.constant 7 : i32
      %swap3A_1552 = arith.index_cast %swap3A_1551 : i32 to index
      %swap3A_1553 = arith.index_cast %mul3A_1550 : i32 to index
      %swap3A_1554 = tpu.vector_load %arg7[%swap3A_1552, %swap3A_1553] {strides = array<i32>} : memref<8x512xf32, #tpu.memory_space<vmem>>, vector<16xf32>,
      tpu.vector_store %arg7[%swap3A_1552, %swap3A_1553], %mul3A_1548 {strides = array<i32>} : memref<8x512xf32, #tpu.memory_space<vmem>>, vector<16xf32>,
      %mul3A_1555 = arith.constant 16 : i32
      %mul3A_1556 = arith.muli %scan3A_12, %mul3A_1555 : i32
      %swap3A_1557 = arith.constant 7 : i32
      %swap3A_1558 = arith.index_cast %swap3A_1557 : i32 to index
      %swap3A_1559 = arith.index_cast %mul3A_1556 : i32 to index
      %swap3A_1560 = tpu.vector_load %arg8[%swap3A_1558, %swap3A_1559] {strides = array<i32>} : memref<8x512xi32, #tpu.memory_space<vmem>>, vector<16xi32>,
      tpu.vector_store %arg8[%swap3A_1558, %swap3A_1559], %select_n3A_1433 {strides = array<i32>} : memref<8x512xi32, #tpu.memory_space<vmem>>, vector<16xi32>,
    }
    %scan3A_11 = arith.constant 32 : i32
    "tpu.region"() ({
      %run_scoped3A = tpu.sem_alloc : memref<!tpu.dma_semaphore, #tpu.memory_space<semaphore_mem>>
      %dma_start3A = arith.constant 0 : i32
      %dma_start3A_12 = tpu.memref_slice %arg3[%dma_start3A, %mul3A_2] : memref<8x16384xf32, #tpu.memory_space<hbm>> -> memref<8x512xf32, #tpu.memory_space<hbm>>
      %dma_start3A_13 = arith.constant 0 : i32
      %dma_start3A_14 = tpu.memref_slice %arg3[%dma_start3A_13, %mul3A_2] : memref<8x16384xf32, #tpu.memory_space<hbm>> -> memref<8x512xf32, #tpu.memory_space<hbm>>
      tpu.enqueue_dma source(%arg7 : memref<8x512xf32, #tpu.memory_space<vmem>>) target(%dma_start3A_14 : memref<8x512xf32, #tpu.memory_space<hbm>>) target_semaphore(%run_scoped3A : memref<!tpu.dma_semaphore, #tpu.memory_space<semaphore_mem>>)
      %dma_wait3A = arith.constant 0 : i32
      %dma_wait3A_15 = tpu.memref_slice %arg3[%dma_wait3A, %mul3A_2] : memref<8x16384xf32, #tpu.memory_space<hbm>> -> memref<8x512xf32, #tpu.memory_space<hbm>>
      %dma_wait3A_16 = arith.constant 0 : i32
      %dma_wait3A_17 = tpu.memref_slice %arg3[%dma_wait3A_16, %mul3A_2] : memref<8x16384xf32, #tpu.memory_space<hbm>> -> memref<8x512xf32, #tpu.memory_space<hbm>>
      tpu.wait_dma2 semaphore(%run_scoped3A : memref<!tpu.dma_semaphore, #tpu.memory_space<semaphore_mem>>) src(%arg7 : memref<8x512xf32, #tpu.memory_space<vmem>>) dst(%dma_wait3A_17 : memref<8x512xf32, #tpu.memory_space<hbm>>)
      tpu.yield
    }) : () -> ()
    "tpu.region"() ({
      %run_scoped3A = tpu.sem_alloc : memref<!tpu.dma_semaphore, #tpu.memory_space<semaphore_mem>>
      %dma_start3A = arith.constant 0 : i32
      %dma_start3A_12 = tpu.memref_slice %arg4[%dma_start3A, %mul3A_2] : memref<8x16384xi32, #tpu.memory_space<hbm>> -> memref<8x512xi32, #tpu.memory_space<hbm>>
      %dma_start3A_13 = arith.constant 0 : i32
      %dma_start3A_14 = tpu.memref_slice %arg4[%dma_start3A_13, %mul3A_2] : memref<8x16384xi32, #tpu.memory_space<hbm>> -> memref<8x512xi32, #tpu.memory_space<hbm>>
      tpu.enqueue_dma source(%arg8 : memref<8x512xi32, #tpu.memory_space<vmem>>) target(%dma_start3A_14 : memref<8x512xi32, #tpu.memory_space<hbm>>) target_semaphore(%run_scoped3A : memref<!tpu.dma_semaphore, #tpu.memory_space<semaphore_mem>>)
      %dma_wait3A = arith.constant 0 : i32
      %dma_wait3A_15 = tpu.memref_slice %arg4[%dma_wait3A, %mul3A_2] : memref<8x16384xi32, #tpu.memory_space<hbm>> -> memref<8x512xi32, #tpu.memory_space<hbm>>
      %dma_wait3A_16 = arith.constant 0 : i32
      %dma_wait3A_17 = tpu.memref_slice %arg4[%dma_wait3A_16, %mul3A_2] : memref<8x16384xi32, #tpu.memory_space<hbm>> -> memref<8x512xi32, #tpu.memory_space<hbm>>
      tpu.wait_dma2 semaphore(%run_scoped3A : memref<!tpu.dma_semaphore, #tpu.memory_space<semaphore_mem>>) src(%arg8 : memref<8x512xi32, #tpu.memory_space<vmem>>) dst(%dma_wait3A_17 : memref<8x512xi32, #tpu.memory_space<hbm>>)
      tpu.yield
    }) : () -> ()
    return
  }
}

</mosaic_0001>

<sc_bundles>
// kernel: _run.3.cloned.1.call-start
scs
__scs_entry_jumppad:
0x0: {  	(pc) =	sbr.rel $0x88, $3  }
0x1: {  	(tag) =	ssettag $0x0;
	lr =	simm.s32 $0x1  }
0x2: {  	[smem:$0x3FA0] =	sst lr;
	_ =	strace $0xD0000000  }
0x3: {  	_ = 	snop  }
0x4: {  	_ = 	snop  }
0x5: {  	_ = 	snop  }
0x6: {  	_ = 	snop  }
0x7: {  	_ = 	snop  }
__scs_overlays_trampoline_lowered:
0x8: {  	[smem:$0x3FAF] =	sst s0  }
0x9: {  	[smem:$0x3FB0] =	sst s1  }
0xa: {  	[smem:$0x3FB1] =	sst s2  }
0xb: {  	[smem:$0x3FB2] =	sst s3  }
0xc: {  	[smem:$0x3FB3] =	sst s4  }
0xd: {  	[smem:$0x3FB4] =	sst s5  }
0xe: {  	[smem:$0x3FB5] =	sst s6  }
0xf: {  	[smem:$0x3FB6] =	sst s7  }
0x10: {  	[smem:$0x3FB7] =	sst s8  }
0x11: {  	[smem:$0x3FB8] =	sst s9;
	s0 =	simm.s32 @!p0 $0x0  }
0x12: {  	s1 =	sld [smem:$0x3F9E];
	s0 =	simm.s32 @p0 $0x1  }
0x13: {  	[smem:$0x3FB9] =	sst s0;
	s0 =	simm.s32 @!p1 $0x0  }
0x14: {  	s2 =	sld [smem:$0x3F9D];
	s0 =	simm.s32 @p1 $0x1  }
0x15: {  	[smem:$0x3FBA] =	sst s0;
	s0 =	simm.s32 @!p2 $0x0  }
0x16: {  	s3 =	sld [smem:$0x3FDB];
	s0 =	simm.s32 @p2 $0x1  }
0x17: {  	s4 =	simm.s32 $0x1BF5;
	[smem:$0x3FBC] =	sst s0  }
0x18: {  	s0 =	sld [smem:$0x3F9F];
	_ =	swait.ge [sflag:s4], $0x0  }
0x19: {  	s7 =	sld [smem:$0x3FA0]  }
0x1a: {  	s8 =	sadd.s32 $0xFFFFE003, lr  }
0x1b: {  	s9 =	sadd.s32 $0xFFFFFEF7, lr;
	s5 =	simm.s32 $0xFFFFFFFF;
	p2 =	slt.u32 s8, $0xFFFFF086  }
0x1c: {  	p1 =	slt.u32 s9, $0xF7A;
	s5 =	simm.s32 @!p2 $0x0  }
0x1d: {  	s5 =	simm.s32 @p1 $0x1;
	p0 =	seq.s32 s7, s2  }
0x1e: {  	s7 =	smul.u32 @!p0 $0xF7A, s2;
	p2 =	seq.s32 @!p0 s5, $0x0  }
0x1f: {  	s9 =	smul.u32 $0xF7A, s1;
	s8 =	simm.s32 @!p0 $0x1BF5;
	p2 =	por !p2, p0  }
0x20: {  	[sflag:s8] =	ssyncset.s32 @!p0 $0xFFFFF086;
	s6 =	sadd.s32 @!p0 s3, s7;
	s7 =	simm.s32 @!p0 $0x108  }
0x21: {  	s3 =	sadd.s32 s3, s9;
	s6 =	sadd.s32 @!p0 $0x88, s6;
	s7 =	simm.s32 @p2 $0x1082  }
0x22: {  	[simem:s7], [sflag:s8] =	dma.local @!p0 [hbm:s6], $0xF7A  }
0x23: {  	s9 =	sor.u32 $0xD0000000, s2;
	s6 =	simm.s32 $0x108;
	_ =	swait.ge @!p0 [sflag:s8], $0x0  }
0x24: {  	s3 =	sadd.s32 $0x88, s3;
	s6 =	simm.s32 @!p1 $0x1082;
	[sflag:s4] =	ssyncset.s32 $0xFFFFF086  }
0x25: {  	[simem:s6], [sflag:s4] =	dma.local [hbm:s3], $0xF7A  }
0x26: {  	[smem:$0x3FA0] =	sst s1;
	(tag) =	ssettag s2;
	_ =	strace s9  }
0x27: {  	s1 =	sld [smem:$0x3FB0]  }
0x28: {  	s2 =	sld [smem:$0x3FB1]  }
0x29: {  	s4 =	sld [smem:$0x3FB3]  }
0x2a: {  	p0 =	seq.s32 s5, $0x0;
	s5 =	sld [smem:$0x3FB4]  }
0x2b: {  	s6 =	sld [smem:$0x3FB5]  }
0x2c: {  	s7 =	sld [smem:$0x3FB6]  }
0x2d: {  	s3 =	simm.s32 $0x108;
	s8 =	sld [smem:$0x3FB7]  }
0x2e: {  	s3 =	simm.s32 @!p0 $0x1082;
	s9 =	sld [smem:$0x3FB8]  }
0x2f: {  	lr =	sadd.s32 s0, s3;
	s0 =	sld [smem:$0x3FAF]  }
0x30: {  	s3 =	sld [smem:$0x3FB2]  }
0x31: {  	[smem:$0x3FBB] =	sst s10  }
0x32: {  	s10 =	sld [smem:$0x3FB9];
	_ =	sdelay $0x3  }
0x33: {  	p0 =	seq.s32 s10, $0x1;
	s10 =	sld [smem:$0x3FBB];
	_ =	sdelay $0x3  }
0x34: {  	[smem:$0x3FBB] =	sst s10  }
0x35: {  	s10 =	sld [smem:$0x3FBA];
	_ =	sdelay $0x3  }
0x36: {  	p1 =	seq.s32 s10, $0x1;
	s10 =	sld [smem:$0x3FBB];
	_ =	sdelay $0x3  }
0x37: {  	[smem:$0x3FBB] =	sst s10  }
0x38: {  	s10 =	sld [smem:$0x3FBC]  }
0x39: {  	_ = 	snop;
	(pc) =	sbr.ind lr, $3  }
0x3a: {  	_ = 	snop  }
0x3b: {  	_ = 	snop  }
0x3c: {  	p2 =	seq.s32 s10, $0x1;
	s10 =	sld [smem:$0x3FBB]  }
0x3d: {  	_ =	shalt  }
0x3e: {  	_ =	shalt  }
0x3f: {  	_ =	shalt  }
0x40: {  	_ =	shalt  }
0x41: {  	_ =	shalt  }
0x42: {  	_ =	shalt  }
0x43: {  	_ =	shalt  }
0x44: {  	_ =	shalt  }
0x45: {  	_ =	shalt  }
0x46: {  	_ =	shalt  }
0x47: {  	_ =	shalt  }
0x48: {  	_ =	shalt  }
0x49: {  	_ =	shalt  }
0x4a: {  	_ =	shalt  }
0x4b: {  	_ =	shalt  }
0x4c: {  	_ =	shalt  }
0x4d: {  	_ =	shalt  }
0x4e: {  	_ =	shalt  }
0x4f: {  	_ =	shalt  }
0x50: {  	_ =	shalt  }
0x51: {  	_ =	shalt  }
0x52: {  	_ =	shalt  }
0x53: {  	_ =	shalt  }
0x54: {  	_ =	shalt  }
0x55: {  	_ =	shalt  }
0x56: {  	_ =	shalt  }
0x57: {  	_ =	shalt  }
0x58: {  	_ =	shalt  }
0x59: {  	_ =	shalt  }
0x5a: {  	_ =	shalt  }
0x5b: {  	_ =	shalt  }
0x5c: {  	_ =	shalt  }
0x5d: {  	_ =	shalt  }
0x5e: {  	_ =	shalt  }
0x5f: {  	_ =	shalt  }
0x60: {  	_ =	shalt  }
0x61: {  	_ =	shalt  }
0x62: {  	_ =	shalt  }
0x63: {  	_ =	shalt  }
0x64: {  	_ =	shalt  }
0x65: {  	_ =	shalt  }
0x66: {  	_ =	shalt  }
0x67: {  	_ =	shalt  }
0x68: {  	_ =	shalt  }
0x69: {  	_ =	shalt  }
0x6a: {  	_ =	shalt  }
0x6b: {  	_ =	shalt  }
0x6c: {  	_ =	shalt  }
0x6d: {  	_ =	shalt  }
0x6e: {  	_ =	shalt  }
0x6f: {  	_ =	shalt  }
0x70: {  	_ =	shalt  }
0x71: {  	_ =	shalt  }
0x72: {  	_ =	shalt  }
0x73: {  	_ =	shalt  }
0x74: {  	_ =	shalt  }
0x75: {  	_ =	shalt  }
0x76: {  	_ =	shalt  }
0x77: {  	_ =	shalt  }
0x78: {  	_ =	shalt  }
0x79: {  	_ =	shalt  }
0x7a: {  	_ =	shalt  }
0x7b: {  	_ =	shalt  }
0x7c: {  	_ =	shalt  }
0x7d: {  	_ =	shalt  }
0x7e: {  	_ =	shalt  }
0x7f: {  	_ =	shalt  }
0x80: {  	_ =	shalt  }
0x81: {  	_ =	shalt  }
0x82: {  	_ =	shalt  }
0x83: {  	_ =	shalt  }
0x84: {  	_ =	shalt  }
0x85: {  	_ =	shalt  }
0x86: {  	_ =	shalt  }
0x87: {  	_ =	shalt  }
.Lfunc_end0:
.L_simem_size_0:
called_computation_lowered:
.L_overlay_start_0:
0x88: {  	s2 =	sld [smem:$0x3FD9]  }
0x89: {  	s3 =	sld [smem:$0x3FFE];
	_ =	sdelay $0x1  }
0x8a: {  	s1 =	srdreg.scid  }
0x8b: {  	s0 =	sand.u32 $0x1, s1  }
0x8c: {  	s14 =	sshll.u32 s0, $0xA;
	s2 =	sadd.s32 s3, s2  }
0x8d: {  	s2 =	sadd.s32 s2, s14  }
0x8e: {  	[smem:$0x3FC7] =	sst s2  }
0x8f: {  	_ = 	snop  }
0x90: {  	s2 =	sld [smem:$0x3FD0];
	_ =	sdelay $0x2  }
0x91: {  	s15 =	simm.s32 $0xA;
	s4 =	simm.s32 $0x10  }
0x92: {  	[smem:s4], [sflag:s15] =	dma.local [hbm:s2], $0x1  }
0x93: {  	_ =	swait.eq [sflag:s15], $0x1  }
0x94: {  	[sflag:s15] =	ssyncset.done $0x0  }
0x95: {  	s16 =	sld [smem:$0x10];
	[sflag:s15] =	ssyncadd.s32 $0xFFFFFFFF  }
0x96: {  	s17 =	sld [smem:$0x11];
	(tm) =	ssettm $0x1  }
0x97: {  	s18 =	sld [smem:$0x3FFB];
	_ =	sdelay $0x3  }
0x98: {  	_ =	strace s18  }
0x99: {  	s4 =	sld [smem:$0x3FFC];
	_ =	sdelay $0x3  }
0x9a: {  	_ =	strace s4  }
0x9b: {  	s4 =	sld [smem:$0x3FFD];
	_ =	sdelay $0x3  }
0x9c: {  	_ =	strace s4  }
0x9d: {  	_ =	strace $0x8FFFFFFF  }
0x9e: {  	s19 =	sld [smem:$0x3FDB];
	_ =	sdelay $0x1  }
0x9f: {  	s5 =	simm.s32 $_scs_section_size  }
0xa0: {  	s6 =	simm.s32 $_size__tile_overlayer_lowered;
	s7 =	simm.s32 $_tile_overlayer_lowered  }
0xa1: {  	s22 =	simm.s32 $0x1BFF;
	s21 =	sshll.u32 s7, $0x1;
	s4 =	sadd.s32 s5, s19  }
0xa2: {  	s8 =	simm.s32 $0x0;
	s20 =	sshll.u32 s6, $0x1;
	s6 =	sadd.s32 s21, s4  }
0xa3: {  	[timem:s8], [sflag:s22] =	dma.local [hbm:s6], s20  }
0xa4: {  	_ =	swait.ge [sflag:s22], s20  }
0xa5: {  	s5 =	ssub.s32 $0x0, s20;
	[sflag:s22] =	ssyncset.done $0x0  }
0xa6: {  	[sflag:s22] =	ssyncadd.s32 s5;
	_ =	sdelay $0x1  }
0xa7: {  	s23 =	simm.s32 $0x1B8B  }
0xa8: {  	_ =	swait.ge [sflag:s23], $0x1  }
0xa9: {  	[sflag:s23] =	ssyncset.done $0x0  }
0xaa: {  	s25 =	simm.s32 $0x1B8E;
	s24 =	sld [smem:$0x3FFE];
	[sflag:s23] =	ssyncadd.s32 $0xFFFFFFFF  }
0xab: {  	s26 =	simm.s32 $execute0_lowered;
	[smem:$0x3FD2] =	sst s25  }
0xac: {  	s6 =	sshll.u32 s26, $0x1;
	_ =	strace $0x80000046;
	[dreg:$0x1] =	wrdreg $0xFFFFFFFF  }
0xad: {  	s28 =	simm.s32 $_size_execute0_lowered;
	s4 =	sadd.s32 s4, s6;
	[dreg:$0x0] =	wrdreg $0x0  }
0xae: {  	s6 =	sshll.u32 s28, $0x1;
	[dreg:$0x2] =	wrdreg s4  }
0xaf: {  	[dreg:$0x3] =	wrdreg s6  }
0xb0: {  	[dreg:$0x4] =	wrdreg $0xC0  }
0xb1: {  	_ =	task [dreg:s8], $0x5FFFF  }
0xb2: {  	[dreg:$0x1] =	wrdreg $0xFFFFFFFF  }
0xb3: {  	[dreg:$0x0] =	wrdreg $0x60  }
0xb4: {  	[dreg:$0x2] =	wrdreg s24  }
0xb5: {  	[dreg:$0x3] =	wrdreg s16  }
0xb6: {  	[dreg:$0x4] =	wrdreg s17  }
0xb7: {  	[dreg:$0x5] =	wrdreg $0x9  }
0xb8: {  	_ =	task.clear_ibuf [dreg:s8], $0x6FFFF;
	_ =	strace $0x90000046  }
0xb9: {  	s29 =	simm.s32 $0x9;
	_ =	strace $0x80000048  }
0xba: {  	_ =	swait.ge [sflag:s29], $0x1  }
0xbb: {  	[sflag:s29] =	ssyncadd.s32 $0xFFFFFFFF  }
0xbc: {  	_ =	strace $0x90000048  }
0xbd: {  	_ =	sfence  }
0xbe: {  	s30 =	sld [smem:$0x0];
	_ =	sdelay $0x2  }
0xbf: {  	s31 =	sshll.u32 s1, $0xD;
	s1 =	sshrl.u32 s1, $0x2  }
0xc0: {  	s3 =	sand.u32 $0x4000, s31;
	s1 =	sadd.s32 s1, s30  }
0xc1: {  	s0 =	sor.u32 s3, s0;
	s1 =	sshll.u32 s1, $0x11  }
0xc2: {  	s0 =	sor.u32 s1, s0  }
0xc3: {  	s0 =	sadd.s32 $0x8F2B, s0  }
0xc4: {  	[sflag:s0] =	ssyncadd.remote.s32 $0x1  }
0xc5: {  	_ =	sfence.sel $0xFFFF  }
0xc6: {  	[dreg:$0x0] =	wrdreg $0xFFFFFFFF;
	(pc) =	sbr.abs _section_cstart, $3  }
0xc7: {  	[dreg:$0x1] =	wrdreg $0xFFFFFFFF  }
0xc8: {  	_ =	task.clear_ibuf [dreg:s8], $0x2FFFF;
	_ =	strace $0x9FFFFFFF  }
0xc9: {  	(tm) =	ssettm $0x7FFFFFFF  }
tec
execute0_lowered:
.L_overlay_start_1:
0x0: {  	(tag) =	ssettag $0x1  }
0x1: {  	v0 =	vlaneseq.u32  }
0x2: {  	s3 =	rddreg [dreg:$0x0];
	v0 =	vmul.u32 $0x41, v0  }
0x3: {  	s4 =	rddreg [dreg:$0x1]  }
0x4: {  	s5 =	rddreg [dreg:$0x2];
	s2 =	simm.s32 $0x0;
	v3 =	vadd.s32 $0x1, v0;
	v4 =	vadd.s32 $0x2, v0;
	v1 =	vadd.s32 $0x33, v0  }
0x5: {  	s1 =	srdreg.scid;
	[smem:$0x7FF] =	sst s2;
	v5 =	vadd.s32 $0x3, v0;
	v6 =	vadd.s32 $0x4, v0;
	[tilespmem:$0x1FEC0] =	vst v1;
	v1 =	vadd.s32 $0x34, v0  }
0x6: {  	s6 =	sand.u32 $0x1, s1;
	s1 =	rddreg [dreg:$0x3];
	v7 =	vadd.s32 $0x5, v0;
	v26 =	vadd.s32 $0x6, v0;
	v27 =	vadd.s32 $0x7, v0;
	_ =	strace $0x80000047;
	[tilespmem:$0x1FED0] =	vst v1  }
0x7: {  	v28 =	vadd.s32 $0x8, v0;
	v29 =	vadd.s32 $0x9, v0;
	v30 =	vadd.s32 $0xA, v0;
	[tilespmem:$0x1FF90] =	vst v3  }
0x8: {  	v31 =	vadd.s32 $0xB, v0;
	v32 =	vadd.s32 $0xC, v0;
	v17 =	vadd.s32 $0xD, v0;
	[tilespmem:$0x1FFA0] =	vst v4  }
0x9: {  	v34 =	vadd.s32 $0xE, v0;
	v35 =	vadd.s32 $0xF, v0;
	v20 =	vadd.s32 $0x10, v0;
	[tilespmem:$0x1FFB0] =	vst v5  }
0xa: {  	v36 =	vadd.s32 $0x11, v0;
	v37 =	vadd.s32 $0x12, v0;
	v38 =	vadd.s32 $0x13, v0;
	[tilespmem:$0x1FFC0] =	vst v6  }
0xb: {  	v39 =	vadd.s32 $0x14, v0;
	v40 =	vadd.s32 $0x15, v0;
	v41 =	vadd.s32 $0x16, v0;
	[tilespmem:$0x1FFD0] =	vst v7  }
0xc: {  	v42 =	vadd.s32 $0x17, v0;
	v43 =	vadd.s32 $0x18, v0;
	v33 =	vadd.s32 $0x32, v0;
	[tilespmem:$0x1FFE0] =	vst v17  }
0xd: {  	v44 =	vadd.s32 $0x19, v0;
	v45 =	vadd.s32 $0x1A, v0;
	v1 =	vadd.s32 $0x35, v0;
	[tilespmem:$0x1FFF0] =	vst v33  }
0xe: {  	v46 =	vadd.s32 $0x1B, v0;
	v47 =	vadd.s32 $0x1C, v0;
	[tilespmem:$0x1FEE0] =	vst v1;
	v1 =	vadd.s32 $0x36, v0  }
0xf: {  	v48 =	vadd.s32 $0x1D, v0;
	v49 =	vadd.s32 $0x1E, v0;
	[tilespmem:$0x1FEF0] =	vst v1;
	v1 =	vadd.s32 $0x37, v0  }
0x10: {  	v50 =	vadd.s32 $0x1F, v0;
	v51 =	vadd.s32 $0x20, v0;
	[tilespmem:$0x1FF00] =	vst v1;
	v1 =	vadd.s32 $0x38, v0  }
0x11: {  	v52 =	vadd.s32 $0x21, v0;
	v53 =	vadd.s32 $0x22, v0;
	[tilespmem:$0x1FF10] =	vst v1;
	v1 =	vadd.s32 $0x39, v0  }
0x12: {  	s0 =	stileid.u32;
	v54 =	vadd.s32 $0x23, v0;
	v55 =	vadd.s32 $0x24, v0;
	[tilespmem:$0x1FF20] =	vst v1;
	v1 =	vadd.s32 $0x3A, v0  }
0x13: {  	s7 =	sshll.u32 s0, $0xA;
	s8 =	sshll.u32 s6, $0x9;
	v56 =	vadd.s32 $0x25, v0;
	v57 =	vadd.s32 $0x26, v0;
	[tilespmem:$0x1FF30] =	vst v1;
	v1 =	vadd.s32 $0x3B, v0  }
0x14: {  	s10 =	simm.s32 $0x19200;
	s6 =	ssub.s32 $0x2, s6;
	v58 =	vadd.s32 $0x27, v0;
	v59 =	vadd.s32 $0x28, v0;
	s7 =	sor.u32 s8, s7;
	[tilespmem:$0x1FF40] =	vst v1;
	v1 =	vadd.s32 $0x3C, v0  }
0x15: {  	s11 =	simm.s32 $0x0;
	v60 =	vadd.s32 $0x29, v0;
	v61 =	vadd.s32 $0x2A, v0;
	s9 =	sshrl.u32 s6, $0x1;
	s8 =	sshll.u32 s7, $0x4;
	[tilespmem:$0x1FF50] =	vst v1;
	v1 =	vadd.s32 $0x3D, v0  }
0x16: {  	v62 =	vadd.s32 $0x2B, v0;
	v63 =	vadd.s32 $0x2C, v0;
	s6 =	ssub.s32 s6, s9;
	s4 =	sadd.s32 s4, s7;
	s5 =	sadd.s32 s5, s7;
	[tilespmem:$0x1FF60] =	vst v1;
	v1 =	vadd.s32 $0x3E, v0  }
0x17: {  	v21 =	vadd.s32 $0x2D, v0;
	v22 =	vadd.s32 $0x2E, v0;
	s7 =	simm.s32 $0x1;
	s9 =	simm.s32 $0x18200;
	s3 =	sadd.s32 s8, s3;
	[tilespmem:$0x1FF70] =	vst v1;
	v1 =	vadd.s32 $0x3F, v0  }
0x18: {  	v23 =	vadd.s32 $0x2F, v0;
	v24 =	vadd.s32 $0x30, v0;
	v25 =	vadd.s32 $0x31, v0;
	s6 =	smax.u32 s6, $0x1;
	s8 =	simm.s32 $0x10000;
	s3 =	sadd.s32 $0x600, s3;
	[tilespmem:$0x1FF80] =	vst v1  }
.LBB2_1:
0x19: {  	[tilespmem:s2], [sflag:$0x1] =	stream.linear.gather [hbm4b:s3+s2], $0x10000, $0x38;
	[tilespmem:$0x1A200] =	vst v63  }
0x1a: {  	_ =	swait.ge [sflag:s7], $0x10000  }
0x1b: {  	[sflag:s7] =	ssyncset.done $0x0  }
0x1c: {  	s13 =	simm.s32 $0x0;
	[sflag:s7] =	ssyncadd.s32 $0xFFFF0000  }
0x1d: {  	v1 =	vld [tilespmem:s13+$0x0];
	_ =	sdelay $0x3  }
0x1e: {  	s12 =	simm.s32 $0x10020  }
0x1f: {  	[tilespmem:s12+$0xFFFFFFE0] =	vst v1  }
0x20: {  	v1 =	vld [tilespmem:s13+$0x10];
	_ =	sdelay $0x4  }
0x21: {  	[tilespmem:s12+$0xFFFFFFF0] =	vst v1  }
0x22: {  	v1 =	vld [tilespmem:s13+$0x20];
	_ =	sdelay $0x4  }
0x23: {  	[tilespmem:s12+$0x0] =	vst v1  }
0x24: {  	v1 =	vld [tilespmem:s13+$0x30];
	_ =	sdelay $0x4  }
0x25: {  	s14 =	simm.s32 $0x400;
	s13 =	simm.s32 $0x80;
	[tilespmem:s12+$0x10] =	vst v1  }
.LBB2_2:
0x26: {  	p0 =	sne.s32 s14, $0x3FE00;
	v1 =	vld [tilespmem:s13+$0x0];
	_ =	sdelay $0x3  }
0x27: {  	s12 =	sadd.s32 $0x41, s12  }
0x28: {  	[tilespmem:s12+$0xFFFFFFE0] =	vst v1  }
0x29: {  	v1 =	vld [tilespmem:s13+$0x10];
	_ =	sdelay $0x4  }
0x2a: {  	[tilespmem:s12+$0xFFFFFFF0] =	vst v1  }
0x2b: {  	v1 =	vld [tilespmem:s13+$0x20];
	_ =	sdelay $0x4  }
0x2c: {  	[tilespmem:s12+$0x0] =	vst v1  }
0x2d: {  	v1 =	vld [tilespmem:s13+$0x30]  }
.Ltmp0:
0x2e: {  	(pc) =	sbr.rel @p0 .LBB2_2-.Ltmp0, $2  }
0x2f: {  	_ =	sdelay $0x2  }
0x30: {  	s13 =	sshra.s32 s14, $0x2;
	s14 =	sadd.s32 $0x200, s14;
	[tilespmem:s12+$0x10] =	vst v1  }
0x31: {  	v1 =	vld [tilespmem:s13+$0x0];
	_ =	sdelay $0x3  }
0x32: {  	s12 =	sadd.s32 $0x41, s12  }
0x33: {  	[tilespmem:s12+$0xFFFFFFE0] =	vst v1  }
0x34: {  	v1 =	vld [tilespmem:s13+$0x10];
	_ =	sdelay $0x4  }
0x35: {  	[tilespmem:s12+$0xFFFFFFF0] =	vst v1  }
0x36: {  	v1 =	vld [tilespmem:s13+$0x20];
	_ =	sdelay $0x4  }
0x37: {  	[tilespmem:s12+$0x0] =	vst v1  }
0x38: {  	v1 =	vld [tilespmem:s13+$0x30];
	_ =	sdelay $0x4  }
0x39: {  	s13 =	simm.s32 $0x0;
	[tilespmem:s12+$0x10] =	vst v1;
	s12 =	simm.s32 $0x0  }
.LBB2_4:
0x3a: {  	v1 =	vmov s13  }
0x3b: {  	v3 =	vld [tilespmem:$0x1FF90];
	v1 =	vmul.u32 $0x41, v1  }
0x3c: {  	v4 =	vld [tilespmem:$0x1FFA0]  }
0x3d: {  	v5 =	vld [tilespmem:$0x1FFB0];
	v2 =	vbroadcast v1, $0x0  }
0x3e: {  	v6 =	vld [tilespmem:$0x1FFC0]  }
0x3f: {  	v8 =	vld [tilespmem:$0x1FFD0];
	v1 =	vadd.s32 v0, v2  }
0x40: {  	v3 =	vadd.s32 v3, v2  }
0x41: {  	v4 =	vadd.s32 v4, v2  }
0x42: {  	v5 =	vadd.s32 v5, v2  }
0x43: {  	v6 =	vadd.s32 v6, v2  }
0x44: {  	v8 =	vadd.s32 v8, v2;
	v7 =	vld.idx.msk [tilespmem:v1+s8+$0x0], $0xffff  }
0x45: {  	v9 =	vadd.s32 v26, v2;
	v3 =	vld.idx.msk [tilespmem:v3+s8+$0x0], $0xffff  }
0x46: {  	v10 =	vadd.s32 v27, v2;
	v4 =	vld.idx.msk [tilespmem:v4+s8+$0x0], $0xffff  }
0x47: {  	v5 =	vld.idx.msk [tilespmem:v5+s8+$0x0], $0xffff  }
0x48: {  	v6 =	vld.idx.msk [tilespmem:v6+s8+$0x0], $0xffff  }
0x49: {  	v8 =	vld.idx.msk [tilespmem:v8+s8+$0x0], $0xffff  }
0x4a: {  	v9 =	vld.idx.msk [tilespmem:v9+s8+$0x0], $0xffff  }
0x4b: {  	v10 =	vld.idx.msk [tilespmem:v10+s8+$0x0], $0xffff;
	_ =	sdelay $0x2  }
0x4c: {  	v3 =	vand.u32 $0xFFFFFFC0, v3;
	v7 =	vor.u32 $0x3F, v7;
	v4 =	vand.u32 $0xFFFFFFC0, v4  }
0x4d: {  	v5 =	vand.u32 $0xFFFFFFC0, v5;
	v6 =	vand.u32 $0xFFFFFFC0, v6;
	v8 =	vand.u32 $0xFFFFFFC0, v8  }
0x4e: {  	v9 =	vand.u32 $0xFFFFFFC0, v9;
	v10 =	vand.u32 $0xFFFFFFC0, v10;
	v3 =	vor.u32 $0x3E, v3  }
0x4f: {  	v4 =	vor.u32 $0x3D, v4;
	v5 =	vor.u32 $0x3C, v5;
	v6 =	vor.u32 $0x3B, v6  }
0x50: {  	v8 =	vor.u32 $0x3A, v8;
	v9 =	vor.u32 $0x39, v9;
	v10 =	vor.u32 $0x38, v10  }
0x51: {  	v11 =	vmax.f32 v7, v3;
	v3 =	vmin.f32 v7, v3;
	v7 =	vmax.f32 v4, v5  }
0x52: {  	v4 =	vmin.f32 v4, v5;
	v5 =	vmax.f32 v6, v8;
	v6 =	vmin.f32 v6, v8  }
0x53: {  	v8 =	vmax.f32 v9, v10;
	v9 =	vmin.f32 v9, v10;
	v10 =	vadd.s32 v28, v2  }
0x54: {  	v12 =	vmax.f32 v11, v7;
	v7 =	vmin.f32 v11, v7;
	v11 =	vadd.s32 v29, v2  }
0x55: {  	v13 =	vmax.f32 v3, v4;
	v3 =	vmin.f32 v3, v4;
	v4 =	vadd.s32 v30, v2  }
0x56: {  	v14 =	vmax.f32 v5, v8;
	v5 =	vmin.f32 v5, v8;
	v8 =	vadd.s32 v31, v2  }
0x57: {  	v15 =	vmax.f32 v6, v9;
	v6 =	vmin.f32 v6, v9;
	v9 =	vadd.s32 v32, v2  }
0x58: {  	v16 =	vmax.f32 v13, v7;
	v7 =	vmin.f32 v13, v7;
	v13 =	vadd.s32 v17, v2;
	v10 =	vld.idx.msk [tilespmem:v10+s8+$0x0], $0xffff  }
0x59: {  	v17 =	vmax.f32 v15, v5;
	v5 =	vmin.f32 v15, v5;
	v15 =	vadd.s32 v34, v2;
	v11 =	vld.idx.msk [tilespmem:v11+s8+$0x0], $0xffff  }
0x5a: {  	v18 =	vmax.f32 v12, v14;
	v12 =	vmin.f32 v12, v14;
	v14 =	vadd.s32 v35, v2;
	v4 =	vld.idx.msk [tilespmem:v4+s8+$0x0], $0xffff  }
0x5b: {  	v19 =	vmax.f32 v16, v17;
	v16 =	vmin.f32 v16, v17;
	v17 =	vmax.f32 v7, v5;
	v8 =	vld.idx.msk [tilespmem:v8+s8+$0x0], $0xffff  }
0x5c: {  	v5 =	vmin.f32 v7, v5;
	v7 =	vmax.f32 v3, v6;
	v3 =	vmin.f32 v3, v6;
	v6 =	vld.idx.msk [tilespmem:v9+s8+$0x0], $0xffff  }
0x5d: {  	v9 =	vmax.f32 v17, v12;
	v12 =	vmin.f32 v17, v12;
	v17 =	vmax.f32 v7, v16;
	v13 =	vld.idx.msk [tilespmem:v13+s8+$0x0], $0xffff  }
0x5e: {  	v7 =	vmin.f32 v7, v16;
	v16 =	vmax.f32 v19, v9;
	v9 =	vmin.f32 v19, v9;
	v15 =	vld.idx.msk [tilespmem:v15+s8+$0x0], $0xffff  }
0x5f: {  	v19 =	vmax.f32 v17, v12;
	v12 =	vmin.f32 v17, v12;
	v17 =	vmax.f32 v7, v5;
	v14 =	vld.idx.msk [tilespmem:v14+s8+$0x0], $0xffff  }
0x60: {  	v5 =	vmin.f32 v7, v5;
	v7 =	vand.u32 $0xFFFFFFC0, v10;
	v10 =	vand.u32 $0xFFFFFFC0, v11  }
0x61: {  	v7 =	vor.u32 $0x37, v7;
	v4 =	vand.u32 $0xFFFFFFC0, v4;
	v8 =	vand.u32 $0xFFFFFFC0, v8  }
0x62: {  	v6 =	vand.u32 $0xFFFFFFC0, v6;
	v10 =	vor.u32 $0x36, v10;
	v4 =	vor.u32 $0x35, v4  }
0x63: {  	v8 =	vor.u32 $0x34, v8;
	v6 =	vor.u32 $0x33, v6;
	v13 =	vand.u32 $0xFFFFFFC0, v13  }
0x64: {  	v14 =	vand.u32 $0xFFFFFFC0, v14;
	v11 =	vor.u32 $0x32, v13;
	v13 =	vand.u32 $0xFFFFFFC0, v15  }
0x65: {  	v14 =	vor.u32 $0x30, v14;
	v15 =	vmax.f32 v7, v10;
	v7 =	vmin.f32 v7, v10  }
0x66: {  	v10 =	vmax.f32 v4, v8;
	v4 =	vmin.f32 v4, v8;
	v13 =	vor.u32 $0x31, v13  }
0x67: {  	v8 =	vmax.f32 v6, v11;
	v6 =	vmin.f32 v6, v11;
	v11 =	vmax.f32 v13, v14  }
0x68: {  	v13 =	vmin.f32 v13, v14;
	v14 =	vmax.f32 v15, v10;
	v10 =	vmin.f32 v15, v10  }
0x69: {  	v15 =	vmax.f32 v7, v4;
	v4 =	vmin.f32 v7, v4;
	v7 =	vmax.f32 v8, v11  }
0x6a: {  	v8 =	vmin.f32 v8, v11;
	v11 =	vmax.f32 v6, v13;
	v6 =	vmin.f32 v6, v13  }
0x6b: {  	v13 =	vmax.f32 v15, v10;
	v10 =	vmin.f32 v15, v10;
	v15 =	vmax.f32 v11, v8  }
0x6c: {  	v8 =	vmin.f32 v11, v8;
	v11 =	vmax.f32 v14, v7;
	v7 =	vmin.f32 v14, v7  }
0x6d: {  	v14 =	vmax.f32 v13, v15;
	v13 =	vmin.f32 v13, v15;
	v15 =	vmax.f32 v10, v8  }
0x6e: {  	v8 =	vmin.f32 v10, v8;
	v10 =	vmax.f32 v4, v6;
	v4 =	vmin.f32 v4, v6  }
0x6f: {  	v6 =	vmax.f32 v15, v7;
	v7 =	vmin.f32 v15, v7;
	v15 =	vmax.f32 v10, v13  }
0x70: {  	v10 =	vmin.f32 v10, v13;
	v4 =	vmax.f32 v18, v4;
	v18 =	vadd.s32 v41, v2  }
0x71: {  	v13 =	vmax.f32 v14, v6;
	v6 =	vmin.f32 v14, v6;
	v14 =	vmax.f32 v15, v7  }
0x72: {  	v7 =	vmin.f32 v15, v7;
	v15 =	vmax.f32 v10, v8;
	v8 =	vmin.f32 v10, v8  }
0x73: {  	v3 =	vmax.f32 v3, v11;
	v10 =	vadd.s32 v20, v2;
	v8 =	vmax.f32 v16, v8  }
0x74: {  	v9 =	vmax.f32 v9, v15;
	v15 =	vadd.s32 v36, v2;
	v7 =	vmax.f32 v19, v7  }
0x75: {  	v12 =	vmax.f32 v12, v14;
	v14 =	vadd.s32 v37, v2;
	v6 =	vmax.f32 v17, v6  }
0x76: {  	v5 =	vmax.f32 v5, v13;
	v13 =	vadd.s32 v38, v2;
	v16 =	vadd.s32 v39, v2  }
0x77: {  	v17 =	vadd.s32 v40, v2;
	v19 =	vadd.s32 v42, v2;
	v11 =	vmax.f32 v4, v12;
	v18 =	vld.idx.msk [tilespmem:v18+s8+$0x0], $0xffff  }
0x78: {  	v4 =	vmin.f32 v4, v12;
	v12 =	vmax.f32 v8, v6;
	v6 =	vmin.f32 v8, v6;
	v10 =	vld.idx.msk [tilespmem:v10+s8+$0x0], $0xffff  }
0x79: {  	v8 =	vmax.f32 v9, v5;
	v5 =	vmin.f32 v9, v5;
	v9 =	vmax.f32 v7, v3;
	v15 =	vld.idx.msk [tilespmem:v15+s8+$0x0], $0xffff  }
0x7a: {  	v3 =	vmin.f32 v7, v3;
	v7 =	vmax.f32 v11, v8;
	v8 =	vmin.f32 v11, v8;
	v14 =	vld.idx.msk [tilespmem:v14+s8+$0x0], $0xffff  }
0x7b: {  	v11 =	vld.idx.msk [tilespmem:v13+s8+$0x0], $0xffff;
	v13 =	vmax.f32 v12, v9;
	v9 =	vmin.f32 v12, v9;
	v12 =	vmax.f32 v4, v5  }
0x7c: {  	v4 =	vmin.f32 v4, v5;
	v5 =	vmax.f32 v6, v3;
	v3 =	vmin.f32 v6, v3;
	v6 =	vld.idx.msk [tilespmem:v17+s8+$0x0], $0xffff  }
0x7d: {  	v16 =	vld.idx.msk [tilespmem:v16+s8+$0x0], $0xffff;
	v17 =	vmax.f32 v7, v13;
	v7 =	vmin.f32 v7, v13;
	v13 =	vmax.f32 v8, v9  }
0x7e: {  	v8 =	vmin.f32 v8, v9;
	v9 =	vmax.f32 v12, v5;
	v5 =	vmin.f32 v12, v5;
	v12 =	vld.idx.msk [tilespmem:v19+s8+$0x0], $0xffff  }
0x7f: {  	v19 =	vmax.f32 v4, v3;
	v10 =	vand.u32 $0xFFFFFFC0, v10  }
0x80: {  	v3 =	vmin.f32 v4, v3;
	v15 =	vand.u32 $0xFFFFFFC0, v15;
	v4 =	vor.u32 $0x2F, v10  }
0x81: {  	v14 =	vand.u32 $0xFFFFFFC0, v14;
	v11 =	vand.u32 $0xFFFFFFC0, v11;
	v6 =	vand.u32 $0xFFFFFFC0, v6  }
0x82: {  	v10 =	vor.u32 $0x2E, v15;
	v15 =	vand.u32 $0xFFFFFFC0, v16;
	v14 =	vor.u32 $0x2D, v14  }
0x83: {  	v11 =	vor.u32 $0x2C, v11;
	v16 =	vand.u32 $0xFFFFFFC0, v18;
	v12 =	vand.u32 $0xFFFFFFC0, v12  }
0x84: {  	v6 =	vor.u32 $0x2A, v6;
	v15 =	vor.u32 $0x2B, v15;
	v16 =	vor.u32 $0x29, v16  }
0x85: {  	v12 =	vor.u32 $0x28, v12;
	v18 =	vmax.f32 v4, v10;
	v4 =	vmin.f32 v4, v10  }
0x86: {  	v10 =	vmax.f32 v14, v11;
	v11 =	vmin.f32 v14, v11;
	v14 =	vmax.f32 v15, v6  }
0x87: {  	v6 =	vmin.f32 v15, v6;
	v15 =	vmax.f32 v16, v12;
	v12 =	vmin.f32 v16, v12  }
0x88: {  	v16 =	vmax.f32 v18, v10;
	v10 =	vmin.f32 v18, v10;
	v18 =	vmax.f32 v4, v11  }
0x89: {  	v4 =	vmin.f32 v4, v11;
	v11 =	vmax.f32 v14, v15;
	v14 =	vmin.f32 v14, v15  }
0x8a: {  	v15 =	vmax.f32 v6, v12;
	v6 =	vmin.f32 v6, v12;
	v12 =	vmax.f32 v18, v10  }
0x8b: {  	v10 =	vmin.f32 v18, v10;
	v18 =	vmax.f32 v15, v14;
	v14 =	vmin.f32 v15, v14  }
0x8c: {  	v15 =	vmax.f32 v16, v11;
	v11 =	vmin.f32 v16, v11;
	v16 =	vmax.f32 v12, v18  }
0x8d: {  	v12 =	vmin.f32 v12, v18;
	v18 =	vmax.f32 v10, v14;
	v10 =	vmin.f32 v10, v14  }
0x8e: {  	v14 =	vmax.f32 v4, v6;
	v4 =	vmin.f32 v4, v6;
	v3 =	vmax.f32 v3, v15  }
0x8f: {  	v15 =	vadd.s32 v46, v2;
	v6 =	vmax.f32 v18, v11;
	v11 =	vmin.f32 v18, v11  }
0x90: {  	v18 =	vmax.f32 v14, v12;
	v12 =	vmin.f32 v14, v12;
	v4 =	vmax.f32 v17, v4  }
0x91: {  	v14 =	vmax.f32 v16, v6;
	v6 =	vmin.f32 v16, v6;
	v16 =	vmax.f32 v18, v11  }
0x92: {  	v11 =	vmin.f32 v18, v11;
	v18 =	vmax.f32 v12, v10;
	v10 =	vmin.f32 v12, v10  }
0x93: {  	v17 =	vadd.s32 v48, v2;
	v12 =	vadd.s32 v43, v2;
	v7 =	vmax.f32 v7, v10  }
0x94: {  	v10 =	vmax.f32 v13, v18;
	v8 =	vmax.f32 v8, v11;
	v9 =	vmax.f32 v9, v16  }
0x95: {  	v11 =	vadd.s32 v44, v2;
	v5 =	vmax.f32 v5, v6;
	v6 =	vmax.f32 v19, v14  }
0x96: {  	v13 =	vadd.s32 v45, v2;
	v16 =	vadd.s32 v47, v2;
	v18 =	vadd.s32 v49, v2  }
0x97: {  	v14 =	vmax.f32 v4, v9;
	v4 =	vmin.f32 v4, v9;
	v9 =	vmax.f32 v7, v5  }
0x98: {  	v5 =	vmin.f32 v7, v5;
	v7 =	vmax.f32 v10, v6;
	v6 =	vmin.f32 v10, v6  }
0x99: {  	v10 =	vmax.f32 v8, v3;
	v3 =	vmin.f32 v8, v3;
	v8 =	vmax.f32 v14, v7  }
0x9a: {  	v7 =	vmin.f32 v14, v7;
	v14 =	vmax.f32 v9, v10;
	v9 =	vmin.f32 v9, v10  }
0x9b: {  	v10 =	vld.idx.msk [tilespmem:v15+s8+$0x0], $0xffff;
	v15 =	vmax.f32 v4, v6;
	v4 =	vmin.f32 v4, v6;
	v6 =	vmax.f32 v5, v3  }
0x9c: {  	v3 =	vmin.f32 v5, v3;
	v5 =	vmax.f32 v8, v14;
	v8 =	vmin.f32 v8, v14;
	v14 =	vld.idx.msk [tilespmem:v17+s8+$0x0], $0xffff  }
0x9d: {  	v19 =	vadd.s32 v50, v2;
	v12 =	vld.idx.msk [tilespmem:v12+s8+$0x0], $0xffff  }
0x9e: {  	v11 =	vld.idx.msk [tilespmem:v11+s8+$0x0], $0xffff  }
0x9f: {  	v13 =	vld.idx.msk [tilespmem:v13+s8+$0x0], $0xffff  }
0xa0: {  	v16 =	vld.idx.msk [tilespmem:v16+s8+$0x0], $0xffff  }
0xa1: {  	v18 =	vld.idx.msk [tilespmem:v18+s8+$0x0], $0xffff  }
0xa2: {  	v17 =	vmax.f32 v7, v9;
	v7 =	vmin.f32 v7, v9;
	v9 =	vmax.f32 v15, v6;
	v19 =	vld.idx.msk [tilespmem:v19+s8+$0x0], $0xffff  }
0xa3: {  	v6 =	vmin.f32 v15, v6;
	v15 =	vmax.f32 v4, v3;
	v3 =	vmin.f32 v4, v3  }
0xa4: {  	v10 =	vand.u32 $0xFFFFFFC0, v10;
	v14 =	vand.u32 $0xFFFFFFC0, v14;
	v12 =	vand.u32 $0xFFFFFFC0, v12  }
0xa5: {  	v10 =	vor.u32 $0x24, v10;
	v14 =	vor.u32 $0x22, v14;
	v4 =	vor.u32 $0x27, v12  }
0xa6: {  	v11 =	vand.u32 $0xFFFFFFC0, v11;
	v12 =	vand.u32 $0xFFFFFFC0, v13;
	v13 =	vand.u32 $0xFFFFFFC0, v16  }
0xa7: {  	v16 =	vand.u32 $0xFFFFFFC0, v18;
	v18 =	vand.u32 $0xFFFFFFC0, v19;
	v11 =	vor.u32 $0x26, v11  }
0xa8: {  	v12 =	vor.u32 $0x25, v12;
	v13 =	vor.u32 $0x23, v13;
	v16 =	vor.u32 $0x21, v16  }
0xa9: {  	v18 =	vor.u32 $0x20, v18;
	v19 =	vmax.f32 v4, v11;
	v4 =	vmin.f32 v4, v11  }
0xaa: {  	v11 =	vmax.f32 v12, v10;
	v10 =	vmin.f32 v12, v10;
	v12 =	vmax.f32 v13, v14  }
0xab: {  	v13 =	vmin.f32 v13, v14;
	v14 =	vmax.f32 v16, v18;
	v16 =	vmin.f32 v16, v18  }
0xac: {  	v18 =	vmax.f32 v19, v11;
	v11 =	vmin.f32 v19, v11;
	v19 =	vmax.f32 v4, v10  }
0xad: {  	v4 =	vmin.f32 v4, v10;
	v10 =	vmax.f32 v12, v14;
	v12 =	vmin.f32 v12, v14  }
0xae: {  	v14 =	vmax.f32 v13, v16;
	v13 =	vmin.f32 v13, v16;
	v16 =	vmax.f32 v19, v11  }
0xaf: {  	v11 =	vmin.f32 v19, v11;
	v19 =	vmax.f32 v14, v12;
	v12 =	vmin.f32 v14, v12  }
0xb0: {  	v14 =	vmax.f32 v18, v10;
	v10 =	vmin.f32 v18, v10;
	v18 =	vmax.f32 v16, v19  }
0xb1: {  	v16 =	vmin.f32 v16, v19;
	v19 =	vmax.f32 v11, v12;
	v11 =	vmin.f32 v11, v12  }
0xb2: {  	v12 =	vmax.f32 v4, v13;
	v4 =	vmin.f32 v4, v13;
	v3 =	vmax.f32 v3, v14  }
0xb3: {  	v14 =	vadd.s32 v54, v2;
	v13 =	vmax.f32 v19, v10;
	v10 =	vmin.f32 v19, v10  }
0xb4: {  	v19 =	vmax.f32 v12, v16;
	v12 =	vmin.f32 v12, v16;
	v4 =	vmax.f32 v5, v4  }
0xb5: {  	v16 =	vmax.f32 v18, v13;
	v13 =	vmin.f32 v18, v13;
	v18 =	vmax.f32 v19, v10  }
0xb6: {  	v10 =	vmin.f32 v19, v10;
	v19 =	vmax.f32 v12, v11;
	v11 =	vmin.f32 v12, v11  }
0xb7: {  	v12 =	vadd.s32 v53, v2;
	v5 =	vmax.f32 v8, v11;
	v8 =	vadd.s32 v51, v2  }
0xb8: {  	v11 =	vmax.f32 v17, v19;
	v7 =	vmax.f32 v7, v10;
	v10 =	vadd.s32 v52, v2  }
0xb9: {  	v9 =	vmax.f32 v9, v18;
	v6 =	vmax.f32 v6, v13;
	v13 =	vmax.f32 v15, v16  }
0xba: {  	v15 =	vmax.f32 v4, v9;
	v4 =	vmin.f32 v4, v9;
	v9 =	vadd.s32 v55, v2  }
0xbb: {  	v16 =	vmax.f32 v5, v6;
	v5 =	vmin.f32 v5, v6;
	v17 =	vmax.f32 v11, v13  }
0xbc: {  	v11 =	vmin.f32 v11, v13;
	v13 =	vadd.s32 v57, v2;
	v18 =	vmax.f32 v7, v3;
	v14 =	vld.idx.msk [tilespmem:v14+s8+$0x0], $0xffff  }
0xbd: {  	v3 =	vmin.f32 v7, v3;
	v19 =	vmax.f32 v15, v17;
	v7 =	vld.idx.msk [tilespmem:v12+s8+$0x0], $0xffff;
	v12 =	vadd.s32 v58, v2  }
0xbe: {  	v15 =	vmin.f32 v15, v17;
	v17 =	vmax.f32 v16, v18;
	v6 =	vld.idx.msk [tilespmem:v8+s8+$0x0], $0xffff;
	v8 =	vadd.s32 v56, v2  }
0xbf: {  	v16 =	vmin.f32 v16, v18;
	v18 =	vmax.f32 v4, v11;
	v4 =	vmin.f32 v4, v11;
	v10 =	vld.idx.msk [tilespmem:v10+s8+$0x0], $0xffff  }
0xc0: {  	v11 =	vmax.f32 v5, v3;
	v3 =	vmin.f32 v5, v3;
	v5 =	vmax.f32 v19, v17;
	v9 =	vld.idx.msk [tilespmem:v9+s8+$0x0], $0xffff  }
0xc1: {  	v17 =	vmin.f32 v19, v17;
	v19 =	vmax.f32 v15, v16;
	v15 =	vmin.f32 v15, v16;
	v13 =	vld.idx.msk [tilespmem:v13+s8+$0x0], $0xffff  }
0xc2: {  	v16 =	vmax.f32 v18, v11;
	v11 =	vmin.f32 v18, v11;
	v18 =	vmax.f32 v4, v3;
	v12 =	vld.idx.msk [tilespmem:v12+s8+$0x0], $0xffff  }
0xc3: {  	v3 =	vmin.f32 v4, v3;
	v14 =	vand.u32 $0xFFFFFFC0, v14;
	v7 =	vand.u32 $0xFFFFFFC0, v7;
	v8 =	vld.idx.msk [tilespmem:v8+s8+$0x0], $0xffff  }
0xc4: {  	v4 =	vand.u32 $0xFFFFFFC0, v6;
	v10 =	vand.u32 $0xFFFFFFC0, v10;
	v7 =	vor.u32 $0x1D, v7  }
0xc5: {  	v4 =	vor.u32 $0x1F, v4;
	v6 =	vor.u32 $0x1E, v10;
	v9 =	vand.u32 $0xFFFFFFC0, v9  }
0xc6: {  	v10 =	vor.u32 $0x1C, v14;
	v13 =	vand.u32 $0xFFFFFFC0, v13;
	v9 =	vor.u32 $0x1B, v9  }
0xc7: {  	v13 =	vor.u32 $0x19, v13;
	v14 =	vmax.f32 v4, v6;
	v4 =	vmin.f32 v4, v6  }
0xc8: {  	v6 =	vmax.f32 v7, v10;
	v12 =	vand.u32 $0xFFFFFFC0, v12;
	v8 =	vand.u32 $0xFFFFFFC0, v8  }
0xc9: {  	v7 =	vmin.f32 v7, v10;
	v12 =	vor.u32 $0x18, v12;
	v8 =	vor.u32 $0x1A, v8  }
0xca: {  	v10 =	vmax.f32 v9, v8;
	v8 =	vmin.f32 v9, v8;
	v9 =	vmax.f32 v13, v12  }
0xcb: {  	v12 =	vmin.f32 v13, v12;
	v13 =	vmax.f32 v14, v6;
	v6 =	vmin.f32 v14, v6  }
0xcc: {  	v14 =	vmax.f32 v4, v7;
	v4 =	vmin.f32 v4, v7;
	v7 =	vmax.f32 v10, v9  }
0xcd: {  	v9 =	vmin.f32 v10, v9;
	v10 =	vmax.f32 v8, v12;
	v8 =	vmin.f32 v8, v12  }
0xce: {  	v12 =	vmax.f32 v14, v6;
	v6 =	vmin.f32 v14, v6;
	v14 =	vmax.f32 v10, v9  }
0xcf: {  	v9 =	vmin.f32 v10, v9;
	v10 =	vmax.f32 v13, v7;
	v7 =	vmin.f32 v13, v7  }
0xd0: {  	v13 =	vmax.f32 v12, v14;
	v12 =	vmin.f32 v12, v14;
	v14 =	vmax.f32 v6, v9  }
0xd1: {  	v6 =	vmin.f32 v6, v9;
	v9 =	vmax.f32 v4, v8;
	v4 =	vmin.f32 v4, v8  }
0xd2: {  	v3 =	vmax.f32 v3, v10;
	v8 =	vmax.f32 v14, v7;
	v7 =	vmin.f32 v14, v7  }
0xd3: {  	v14 =	vmax.f32 v9, v12;
	v9 =	vmin.f32 v9, v12;
	v4 =	vmax.f32 v5, v4  }
0xd4: {  	v5 =	vadd.s32 v59, v2;
	v12 =	vmax.f32 v13, v8;
	v8 =	vmin.f32 v13, v8  }
0xd5: {  	v13 =	vmax.f32 v14, v7;
	v7 =	vmin.f32 v14, v7;
	v14 =	vmax.f32 v9, v6  }
0xd6: {  	v6 =	vmin.f32 v9, v6;
	v9 =	vmax.f32 v19, v14;
	v14 =	vadd.s32 v60, v2  }
0xd7: {  	v6 =	vmax.f32 v17, v6;
	v7 =	vmax.f32 v15, v7;
	v15 =	vadd.s32 v61, v2  }
0xd8: {  	v8 =	vmax.f32 v11, v8;
	v11 =	vmax.f32 v18, v12;
	v12 =	vadd.s32 v62, v2  }
0xd9: {  	v13 =	vmax.f32 v16, v13;
	v16 =	vadd.s32 v63, v2;
	v17 =	vadd.s32 v21, v2  }
0xda: {  	v18 =	vadd.s32 v22, v2;
	v19 =	vadd.s32 v23, v2;
	v10 =	vmax.f32 v4, v13;
	v5 =	vld.idx.msk [tilespmem:v5+s8+$0x0], $0xffff  }
0xdb: {  	v4 =	vmin.f32 v4, v13;
	v13 =	vmax.f32 v6, v8;
	v6 =	vmin.f32 v6, v8;
	v14 =	vld.idx.msk [tilespmem:v14+s8+$0x0], $0xffff  }
0xdc: {  	v8 =	vmax.f32 v9, v11;
	v9 =	vmin.f32 v9, v11;
	v11 =	vmax.f32 v7, v3;
	v15 =	vld.idx.msk [tilespmem:v15+s8+$0x0], $0xffff  }
0xdd: {  	v3 =	vmin.f32 v7, v3;
	v7 =	vmax.f32 v10, v8;
	v8 =	vmin.f32 v10, v8;
	v10 =	vld.idx.msk [tilespmem:v12+s8+$0x0], $0xffff  }
0xde: {  	v12 =	vmax.f32 v13, v11;
	v11 =	vmin.f32 v13, v11;
	v13 =	vmax.f32 v4, v9;
	v16 =	vld.idx.msk [tilespmem:v16+s8+$0x0], $0xffff  }
0xdf: {  	v4 =	vmin.f32 v4, v9;
	v9 =	vmax.f32 v6, v3;
	v3 =	vmin.f32 v6, v3;
	v6 =	vld.idx.msk [tilespmem:v17+s8+$0x0], $0xffff  }
0xe0: {  	v18 =	vld.idx.msk [tilespmem:v18+s8+$0x0], $0xffff;
	v17 =	vmax.f32 v7, v12;
	v7 =	vmin.f32 v7, v12;
	v12 =	vmax.f32 v8, v11  }
0xe1: {  	v8 =	vmin.f32 v8, v11;
	v11 =	vmax.f32 v13, v9;
	v9 =	vmin.f32 v13, v9;
	v13 =	vld.idx.msk [tilespmem:v19+s8+$0x0], $0xffff  }
0xe2: {  	v5 =	vand.u32 $0xFFFFFFC0, v5  }
0xe3: {  	v19 =	vmax.f32 v4, v3;
	v3 =	vmin.f32 v4, v3;
	v4 =	vor.u32 $0x17, v5  }
0xe4: {  	v14 =	vand.u32 $0xFFFFFFC0, v14;
	v10 =	vand.u32 $0xFFFFFFC0, v10;
	v6 =	vand.u32 $0xFFFFFFC0, v6  }
0xe5: {  	v5 =	vor.u32 $0x16, v14;
	v14 =	vand.u32 $0xFFFFFFC0, v15;
	v15 =	vand.u32 $0xFFFFFFC0, v16  }
0xe6: {  	v10 =	vor.u32 $0x14, v10;
	v16 =	vand.u32 $0xFFFFFFC0, v18;
	v13 =	vand.u32 $0xFFFFFFC0, v13  }
0xe7: {  	v6 =	vor.u32 $0x12, v6;
	v14 =	vor.u32 $0x15, v14;
	v15 =	vor.u32 $0x13, v15  }
0xe8: {  	v16 =	vor.u32 $0x11, v16;
	v13 =	vor.u32 $0x10, v13;
	v18 =	vmax.f32 v4, v5  }
0xe9: {  	v4 =	vmin.f32 v4, v5;
	v5 =	vmax.f32 v14, v10;
	v10 =	vmin.f32 v14, v10  }
0xea: {  	v14 =	vmax.f32 v15, v6;
	v6 =	vmin.f32 v15, v6;
	v15 =	vmax.f32 v16, v13  }
0xeb: {  	v13 =	vmin.f32 v16, v13;
	v16 =	vmax.f32 v18, v5;
	v5 =	vmin.f32 v18, v5  }
0xec: {  	v18 =	vmax.f32 v4, v10;
	v4 =	vmin.f32 v4, v10;
	v10 =	vmax.f32 v14, v15  }
0xed: {  	v14 =	vmin.f32 v14, v15;
	v15 =	vmax.f32 v6, v13;
	v6 =	vmin.f32 v6, v13  }
0xee: {  	v13 =	vmax.f32 v18, v5;
	v5 =	vmin.f32 v18, v5;
	v18 =	vmax.f32 v15, v14  }
0xef: {  	v14 =	vmin.f32 v15, v14;
	v15 =	vmax.f32 v16, v10;
	v10 =	vmin.f32 v16, v10  }
0xf0: {  	v16 =	vmax.f32 v13, v18;
	v13 =	vmin.f32 v13, v18;
	v18 =	vmax.f32 v5, v14  }
0xf1: {  	v5 =	vmin.f32 v5, v14;
	v14 =	vmax.f32 v4, v6;
	v4 =	vmin.f32 v4, v6  }
0xf2: {  	v3 =	vmax.f32 v3, v15;
	v6 =	vmax.f32 v18, v10;
	v10 =	vmin.f32 v18, v10  }
0xf3: {  	v18 =	vmax.f32 v14, v13;
	v13 =	vmin.f32 v14, v13;
	v4 =	vmax.f32 v17, v4  }
0xf4: {  	v15 =	vld [tilespmem:$0x1FEC0];
	v14 =	vmax.f32 v16, v6;
	v6 =	vmin.f32 v16, v6;
	v16 =	vmax.f32 v18, v10  }
0xf5: {  	v17 =	vld [tilespmem:$0x1FEE0];
	v10 =	vmin.f32 v18, v10;
	v18 =	vmax.f32 v13, v5;
	v5 =	vmin.f32 v13, v5  }
0xf6: {  	v13 =	vadd.s32 v33, v2;
	v8 =	vmax.f32 v8, v10;
	v10 =	vmax.f32 v11, v16;
	v16 =	vld [tilespmem:$0x1FED0]  }
0xf7: {  	v5 =	vmax.f32 v7, v5;
	v7 =	vmax.f32 v12, v18;
	v12 =	vadd.s32 v24, v2;
	v18 =	vld [tilespmem:$0x1FEF0]  }
0xf8: {  	v11 =	vadd.s32 v25, v2;
	v6 =	vmax.f32 v9, v6;
	v9 =	vmax.f32 v19, v14;
	v19 =	vld [tilespmem:$0x1FF00]  }
0xf9: {  	v14 =	vmax.f32 v4, v10;
	v4 =	vmin.f32 v4, v10;
	v15 =	vadd.s32 v15, v2  }
0xfa: {  	v10 =	vmax.f32 v5, v6;
	v5 =	vmin.f32 v5, v6;
	v17 =	vadd.s32 v17, v2  }
0xfb: {  	v6 =	vmax.f32 v7, v9;
	v7 =	vmin.f32 v7, v9;
	v13 =	vld.idx.msk [tilespmem:v13+s8+$0x0], $0xffff;
	v16 =	vadd.s32 v16, v2  }
0xfc: {  	v33 =	vmax.f32 v8, v3;
	v3 =	vmin.f32 v8, v3;
	v12 =	vld.idx.msk [tilespmem:v12+s8+$0x0], $0xffff;
	v18 =	vadd.s32 v18, v2  }
0xfd: {  	v8 =	vmax.f32 v14, v6;
	v6 =	vmin.f32 v14, v6;
	v11 =	vld.idx.msk [tilespmem:v11+s8+$0x0], $0xffff;
	v19 =	vadd.s32 v19, v2  }
0xfe: {  	v14 =	vmax.f32 v10, v33;
	v9 =	vmin.f32 v10, v33;
	v33 =	vmax.f32 v5, v3;
	v10 =	vld.idx.msk [tilespmem:v15+s8+$0x0], $0xffff  }
0xff: {  	v3 =	vmin.f32 v5, v3;
	v5 =	vmax.f32 v8, v14;
	v8 =	vmin.f32 v8, v14;
	v14 =	vld.idx.msk [tilespmem:v17+s8+$0x0], $0xffff  }
0x100: {  	v15 =	vmax.f32 v4, v7;
	v16 =	vld.idx.msk [tilespmem:v16+s8+$0x0], $0xffff  }
0x101: {  	v4 =	vmin.f32 v4, v7;
	v17 =	vmax.f32 v6, v9;
	v6 =	vmin.f32 v6, v9;
	v18 =	vld.idx.msk [tilespmem:v18+s8+$0x0], $0xffff  }
0x102: {  	v9 =	vmax.f32 v15, v33;
	v7 =	vmin.f32 v15, v33;
	v15 =	vmax.f32 v4, v3;
	v19 =	vld.idx.msk [tilespmem:v19+s8+$0x0], $0xffff  }
0x103: {  	v3 =	vmin.f32 v4, v3;
	v12 =	vand.u32 $0xFFFFFFC0, v12;
	v11 =	vand.u32 $0xFFFFFFC0, v11  }
0x104: {  	v33 =	vand.u32 $0xFFFFFFC0, v13;
	v4 =	vor.u32 $0xF, v12;
	v11 =	vor.u32 $0xE, v11  }
0x105: {  	v12 =	vor.u32 $0xD, v33;
	v10 =	vand.u32 $0xFFFFFFC0, v10;
	v14 =	vand.u32 $0xFFFFFFC0, v14  }
0x106: {  	v10 =	vor.u32 $0xC, v10;
	v14 =	vor.u32 $0xA, v14;
	v33 =	vand.u32 $0xFFFFFFC0, v16  }
0x107: {  	v16 =	vand.u32 $0xFFFFFFC0, v18;
	v18 =	vand.u32 $0xFFFFFFC0, v19;
	v19 =	vmax.f32 v4, v11  }
0x108: {  	v4 =	vmin.f32 v4, v11;
	v11 =	vmax.f32 v12, v10;
	v10 =	vmin.f32 v12, v10  }
0x109: {  	v13 =	vor.u32 $0xB, v33;
	v16 =	vor.u32 $0x9, v16;
	v18 =	vor.u32 $0x8, v18  }
0x10a: {  	v12 =	vmax.f32 v13, v14;
	v13 =	vmin.f32 v13, v14;
	v33 =	vmax.f32 v16, v18  }
0x10b: {  	v16 =	vmin.f32 v16, v18;
	v18 =	vmax.f32 v19, v11;
	v11 =	vmin.f32 v19, v11  }
0x10c: {  	v19 =	vmax.f32 v4, v10;
	v4 =	vmin.f32 v4, v10;
	v10 =	vmax.f32 v12, v33  }
0x10d: {  	v12 =	vmin.f32 v12, v33;
	v33 =	vmax.f32 v13, v16;
	v13 =	vmin.f32 v13, v16  }
0x10e: {  	v16 =	vmax.f32 v19, v11;
	v11 =	vmin.f32 v19, v11;
	v19 =	vmax.f32 v33, v12  }
0x10f: {  	v12 =	vmin.f32 v33, v12;
	v14 =	vmax.f32 v18, v10;
	v10 =	vmin.f32 v18, v10  }
0x110: {  	v18 =	vmax.f32 v16, v19;
	v16 =	vmin.f32 v16, v19;
	v19 =	vmax.f32 v11, v12  }
0x111: {  	v11 =	vmin.f32 v11, v12;
	v12 =	vmax.f32 v4, v13;
	v4 =	vmin.f32 v4, v13  }
0x112: {  	v33 =	vmax.f32 v19, v10;
	v10 =	vmin.f32 v19, v10;
	v19 =	vmax.f32 v12, v16  }
0x113: {  	v12 =	vmin.f32 v12, v16;
	v16 =	vmax.f32 v18, v33;
	v13 =	vmin.f32 v18, v33;
	v33 =	vld [tilespmem:$0x1FF10];
	_ =	sdelay $0x2  }
0x114: {  	v18 =	vmax.f32 v19, v10  }
0x115: {  	v10 =	vmin.f32 v19, v10;
	v19 =	vmax.f32 v12, v11;
	v11 =	vmin.f32 v12, v11;
	v12 =	vld [tilespmem:$0x1FF20]  }
0x116: {  	v4 =	vmax.f32 v5, v4;
	v5 =	vmax.f32 v8, v11;
	v8 =	vadd.s32 v33, v2;
	v33 =	vld [tilespmem:$0x1FF30];
	_ =	sdelay $0x4  }
0x117: {  	v6 =	vmax.f32 v6, v10;
	v10 =	vadd.s32 v12, v2;
	v12 =	vadd.s32 v33, v2;
	v33 =	vld [tilespmem:$0x1FF40];
	_ =	sdelay $0x4  }
0x118: {  	v3 =	vmax.f32 v3, v14;
	v14 =	vadd.s32 v33, v2;
	v33 =	vld [tilespmem:$0x1FF50];
	_ =	sdelay $0x3  }
0x119: {  	v9 =	vmax.f32 v9, v18;
	v7 =	vmax.f32 v7, v13;
	v13 =	vmax.f32 v15, v16  }
0x11a: {  	v15 =	vmax.f32 v4, v9;
	v4 =	vmin.f32 v4, v9;
	v9 =	vadd.s32 v33, v2;
	v33 =	vld [tilespmem:$0x1FF60];
	_ =	sdelay $0x3  }
0x11b: {  	v16 =	vmax.f32 v5, v7;
	v5 =	vmin.f32 v5, v7;
	v7 =	vld.idx.msk [tilespmem:v8+s8+$0x0], $0xffff  }
0x11c: {  	v8 =	vadd.s32 v33, v2;
	v33 =	vld [tilespmem:$0x1FF70]  }
0x11d: {  	v11 =	vmax.f32 v17, v19;
	v19 =	vld [tilespmem:$0x1FF80]  }
0x11e: {  	v17 =	vmax.f32 v11, v13  }
0x11f: {  	v11 =	vmin.f32 v11, v13;
	v18 =	vmax.f32 v6, v3;
	v3 =	vmin.f32 v6, v3;
	v10 =	vld.idx.msk [tilespmem:v10+s8+$0x0], $0xffff  }
0x120: {  	v6 =	vmax.f32 v15, v17;
	v15 =	vmin.f32 v15, v17;
	v17 =	vmax.f32 v16, v18;
	v9 =	vld.idx.msk [tilespmem:v9+s8+$0x0], $0xffff  }
0x121: {  	v16 =	vmin.f32 v16, v18;
	v18 =	vmax.f32 v4, v11;
	v12 =	vld.idx.msk [tilespmem:v12+s8+$0x0], $0xffff;
	v13 =	vadd.s32 v33, v2  }
0x122: {  	v4 =	vmin.f32 v4, v11;
	v7 =	vand.u32 $0xFFFFFFC0, v7;
	v14 =	vld.idx.msk [tilespmem:v14+s8+$0x0], $0xffff;
	v2 =	vadd.s32 v19, v2  }
0x123: {  	v33 =	vmax.f32 v5, v3;
	v3 =	vmin.f32 v5, v3;
	v5 =	vmax.f32 v6, v17  }
0x124: {  	v6 =	vmin.f32 v6, v17;
	v17 =	vmax.f32 v15, v16;
	v15 =	vmin.f32 v15, v16  }
0x125: {  	v8 =	vld.idx.msk [tilespmem:v8+s8+$0x0], $0xffff;
	v9 =	vand.u32 $0xFFFFFFC0, v9;
	v16 =	vmax.f32 v18, v33;
	v11 =	vmin.f32 v18, v33  }
0x126: {  	v18 =	vmax.f32 v4, v3;
	v3 =	vmin.f32 v4, v3;
	v4 =	vor.u32 $0x7, v7;
	v13 =	vld.idx.msk [tilespmem:v13+s8+$0x0], $0xffff  }
0x127: {  	v7 =	vand.u32 $0xFFFFFFC0, v10;
	v10 =	vand.u32 $0xFFFFFFC0, v12;
	v33 =	vand.u32 $0xFFFFFFC0, v14;
	v2 =	vld.idx.msk [tilespmem:v2+s8+$0x0], $0xffff  }
0x128: {  	v9 =	vor.u32 $0x3, v9;
	v7 =	vor.u32 $0x6, v7;
	v10 =	vor.u32 $0x5, v10  }
0x129: {  	v12 =	vor.u32 $0x4, v33;
	v14 =	vmax.f32 v4, v7;
	v4 =	vmin.f32 v4, v7  }
0x12a: {  	v33 =	vmax.f32 v10, v12;
	v10 =	vmin.f32 v10, v12;
	v8 =	vand.u32 $0xFFFFFFC0, v8  }
0x12b: {  	v7 =	vmin.f32 v14, v33;
	v8 =	vor.u32 $0x2, v8;
	v13 =	vand.u32 $0xFFFFFFC0, v13  }
0x12c: {  	v12 =	vmax.f32 v9, v8;
	v2 =	vand.u32 $0xFFFFFFC0, v2;
	v13 =	vor.u32 $0x1, v13  }
0x12d: {  	v8 =	vmin.f32 v9, v8;
	v9 =	vmax.f32 v13, v2;
	v2 =	vmin.f32 v13, v2  }
0x12e: {  	v13 =	vmax.f32 v14, v33;
	v33 =	vmax.f32 v4, v10;
	v4 =	vmin.f32 v4, v10  }
0x12f: {  	v10 =	vmax.f32 v12, v9;
	v9 =	vmin.f32 v12, v9;
	v12 =	vmax.f32 v8, v2  }
0x130: {  	v2 =	vmin.f32 v8, v2;
	v8 =	vmax.f32 v33, v7;
	v7 =	vmin.f32 v33, v7  }
0x131: {  	v33 =	vmax.f32 v12, v9;
	v9 =	vmin.f32 v12, v9;
	v12 =	vmax.f32 v13, v10  }
0x132: {  	v10 =	vmin.f32 v13, v10;
	v13 =	vmax.f32 v8, v33;
	v8 =	vmin.f32 v8, v33  }
0x133: {  	v33 =	vmax.f32 v7, v9;
	v7 =	vmin.f32 v7, v9;
	v9 =	vmax.f32 v4, v2  }
0x134: {  	v2 =	vmin.f32 v4, v2;
	v3 =	vmax.f32 v3, v12;
	v4 =	vmax.f32 v33, v10  }
0x135: {  	v10 =	vmin.f32 v33, v10;
	v33 =	vmax.f32 v9, v8;
	v8 =	vmin.f32 v9, v8  }
0x136: {  	v9 =	vmax.f32 v13, v4;
	v4 =	vmin.f32 v13, v4;
	v13 =	vmax.f32 v33, v10  }
0x137: {  	v10 =	vmin.f32 v33, v10;
	v33 =	vmax.f32 v8, v7;
	v7 =	vmin.f32 v8, v7  }
0x138: {  	v2 =	vmax.f32 v5, v2;
	v5 =	vmax.f32 v6, v7;
	v6 =	vmax.f32 v17, v33  }
0x139: {  	v7 =	vmax.f32 v15, v10;
	v14 =	vmax.f32 v16, v13;
	v4 =	vmax.f32 v11, v4  }
0x13a: {  	v9 =	vmax.f32 v18, v9;
	v33 =	vmax.f32 v2, v14;
	v2 =	vmin.f32 v2, v14  }
0x13b: {  	v8 =	vmax.f32 v5, v4;
	v4 =	vmin.f32 v5, v4;
	v12 =	vmax.f32 v6, v9  }
0x13c: {  	v6 =	vmin.f32 v6, v9;
	v13 =	vmax.f32 v7, v3;
	v3 =	vmin.f32 v7, v3  }
0x13d: {  	v14 =	vmax.f32 v33, v12;
	v5 =	vmin.f32 v33, v12;
	v33 =	vmax.f32 v8, v13  }
0x13e: {  	v8 =	vmin.f32 v8, v13;
	v9 =	vmax.f32 v2, v6;
	v2 =	vmin.f32 v2, v6  }
0x13f: {  	v6 =	vmax.f32 v4, v3;
	v3 =	vmin.f32 v4, v3;
	v12 =	vmax.f32 v14, v33  }
0x140: {  	v13 =	vmin.f32 v14, v33;
	v14 =	vmax.f32 v5, v8;
	v7 =	vandn.u32 $0x3F, v12  }
0x141: {  	v5 =	vmin.f32 v5, v8;
	v4 =	vandn.u32 $0x3F, v13;
	v11 =	vadd.s32 v1, v7  }
0x142: {  	v33 =	vmax.f32 v9, v6;
	v8 =	vandn.u32 $0x3F, v14;
	v10 =	vadd.s32 v1, v4  }
0x143: {  	v6 =	vmin.f32 v9, v6;
	v5 =	vandn.u32 $0x3F, v5;
	v13 =	vadd.s32 v1, v8  }
0x144: {  	v9 =	vandn.u32 $0x3F, v33;
	v14 =	vmax.f32 v2, v3;
	v12 =	vadd.s32 v1, v5  }
0x145: {  	v6 =	vandn.u32 $0x3F, v6;
	v2 =	vmin.f32 v2, v3;
	v15 =	vadd.s32 v1, v9;
	v33 =	vmovc v25;
	v25 =	vmovc v24  }
0x146: {  	v24 =	vmovc v23;
	v23 =	vmovc v22;
	v22 =	vmov v21;
	v21 =	vandn.u32 $0x3F, v14;
	v14 =	vadd.s32 v1, v6;
	v11 =	vld.idx.msk [tilespmem:v11+s8+$0x0], $0xffff  }
0x147: {  	v3 =	vandn.u32 $0x3F, v2;
	v16 =	vadd.s32 v1, v21;
	v10 =	vld.idx.msk [tilespmem:v10+s8+$0x0], $0xffff  }
0x148: {  	v1 =	vadd.s32 v1, v3;
	v13 =	vld.idx.msk [tilespmem:v13+s8+$0x0], $0xffff  }
0x149: {  	v12 =	vld.idx.msk [tilespmem:v12+s8+$0x0], $0xffff  }
0x14a: {  	v15 =	vld.idx.msk [tilespmem:v15+s8+$0x0], $0xffff  }
0x14b: {  	v14 =	vld.idx.msk [tilespmem:v14+s8+$0x0], $0xffff  }
0x14c: {  	v2 =	vmovc v63;
	v63 =	vmov v62;
	v62 =	vmov v61;
	v61 =	vmov v60;
	v16 =	vld.idx.msk [tilespmem:v16+s8+$0x0], $0xffff  }
0x14d: {  	v60 =	vmovc v59;
	v59 =	vmovc v58;
	v58 =	vmov v57;
	v57 =	vmov v56;
	v56 =	vmov v55;
	v1 =	vld.idx.msk [tilespmem:v1+s8+$0x0], $0xffff  }
0x14e: {  	v55 =	vmovc v54;
	v54 =	vmovc v53;
	v53 =	vmov v52;
	vm9 =	vge.f32 v11, v10;
	vm4 =	vge.f32 v13, v12  }
0x14f: {  	v52 =	vmovc v51;
	v17 =	vsel vm9, v11, v10;
	v10 =	vsel vm9, v10, v11;
	v11 =	vsel vm4, v13, v12  }
0x150: {  	v51 =	vmovc v0;
	v0 =	vmovc v50;
	v50 =	vmov v49;
	v49 =	vmov v48;
	vm5 =	vge.f32 v10, v11  }
0x151: {  	v48 =	vmovc v47;
	v12 =	vsel vm4, v12, v13;
	vm2 =	vge.f32 v15, v14;
	v18 =	vsel vm5, v10, v11  }
0x152: {  	v47 =	vmovc v46;
	v13 =	vsel vm2, v15, v14;
	vm0 =	vge.f32 v16, v1;
	vm10 =	vge.f32 v17, v18  }
0x153: {  	v46 =	vmovc v45;
	v14 =	vsel vm2, v14, v15;
	v10 =	vsel vm5, v11, v10;
	v11 =	vsel vm10, v17, v18  }
0x154: {  	v45 =	vmovc v44;
	vm3 =	vge.f32 v12, v13;
	v17 =	vsel vm10, v18, v17;
	v18 =	vsub.f32 v11, v11  }
0x155: {  	v44 =	vmovc v43;
	v19 =	vsel vm3, v12, v13;
	v12 =	vsel vm3, v13, v12;
	v13 =	vsub.f32 v17, v11  }
0x156: {  	v43 =	vmovc v42;
	v42 =	vmovc v41;
	v15 =	vsel vm0, v16, v1;
	vm8 =	vge.f32 v10, v19;
	v18 =	vmul.f32 $1.442695020e+00, v18  }
0x157: {  	v41 =	vmovc v40;
	v40 =	vmovc v39;
	v1 =	vsel vm0, v1, v16;
	v17 =	vsel vm8, v10, v19;
	v13 =	vmul.f32 $1.442695020e+00, v13  }
0x158: {  	v39 =	vmovc v38;
	v38 =	vmovc v37;
	vm1 =	vge.f32 v14, v15;
	v17 =	vsub.f32 v17, v11;
	(erf) = vpow2.f32 v18  }
0x159: {  	v37 =	vmovc v36;
	v36 =	vmovc v20;
	v20 =	vsel vm1, v14, v15;
	v10 =	vsel vm8, v19, v10;
	(erf) = vpow2.f32 v13  }
0x15a: {  	vm6 =	vge.f32 v12, v20;
	v10 =	vsub.f32 v10, v11;
	v13 =	vmul.f32 $1.442695020e+00, v17  }
0x15b: {  	v14 =	vsel vm1, v15, v14;
	v15 =	vsel vm6, v12, v20;
	v12 =	vsel vm6, v20, v12  }
0x15c: {  	v10 =	vmul.f32 $1.442695020e+00, v10;
	(erf) = vpow2.f32 v13;
	v13 =	vsub.f32 v15, v11  }
0x15d: {  	vm7 =	vge.f32 v14, v1;
	v12 =	vsub.f32 v12, v11  }
0x15e: {  	(erf) = vpow2.f32 v10;
	v10 =	vmul.f32 $1.442695020e+00, v13;
	v13 =	vsel vm7, v14, v1;
	_ =	sdelay $0x1  }
0x15f: {  	(erf) = vpow2.f32 v10;
	v10 =	vmul.f32 $1.442695020e+00, v12;
	v12 =	vsub.f32 v13, v11  }
0x160: {  	v1 =	vsel vm7, v1, v14;
	v13 =	vpop (erf)  }
0x161: {  	v1 =	vsub.f32 v1, v11;
	(erf) = vpow2.f32 v10;
	v14 =	vmul.f32 $1.442695020e+00, v12;
	v11 =	vpop (erf)  }
0x162: {  	v10 =	vadd.f32 v11, v13  }
0x163: {  	v1 =	vmul.f32 $1.442695020e+00, v1;
	(erf) = vpow2.f32 v14  }
0x164: {  	v12 =	vpop (erf)  }
0x165: {  	(erf) = vpow2.f32 v1;
	v1 =	vadd.f32 v12, v10  }
0x166: {  	v10 =	vpop (erf)  }
0x167: {  	v1 =	vadd.f32 v1, v10  }
0x168: {  	v14 =	vpop (erf)  }
0x169: {  	v1 =	vadd.f32 v14, v1  }
0x16a: {  	v15 =	vpop (erf)  }
0x16b: {  	v1 =	vadd.f32 v1, v15  }
0x16c: {  	v16 =	vpop (erf)  }
0x16d: {  	v1 =	vadd.f32 v1, v16  }
0x16e: {  	v17 =	vpop (erf)  }
0x16f: {  	v1 =	vadd.f32 v1, v17;
	_ =	sdelay $0x1  }
0x170: {  	(erf) = vrcp.f32 v1;
	_ =	sdelay $0x8  }
0x171: {  	v19 =	vsel vm4, v8, v5;
	v5 =	vsel vm4, v5, v8;
	v8 =	vsel vm0, v21, v3;
	v1 =	vpop (erf)  }
0x172: {  	s14 =	sand.u32 $0x70, s13;
	s15 =	sand.u32 $0xC00, s12;
	v20 =	vmovc v36;
	v36 =	vmovc v37;
	v37 =	vmov v38;
	v38 =	vmov v39;
	v13 =	vmul.f32 v1, v13  }
0x173: {  	s14 =	sor.u32 s14, s15;
	v39 =	vmovc v40;
	v40 =	vmovc v41;
	v41 =	vmov v42;
	v42 =	vmov v43;
	v11 =	vmul.f32 v1, v11  }
0x174: {  	v43 =	vmovc v44;
	v44 =	vmov v45;
	v18 =	vsel vm9, v4, v7;
	v12 =	vmul.f32 v1, v12;
	[tilespmem:s14+$0x18200] =	vst v13  }
0x175: {  	v45 =	vmovc v46;
	v46 =	vmov v47;
	v4 =	vsel vm9, v7, v4;
	v7 =	vsel vm5, v18, v19;
	[tilespmem:s14+$0x18280] =	vst v11  }
0x176: {  	v13 =	vsel vm10, v4, v7;
	v4 =	vsel vm10, v7, v4;
	v7 =	vsel vm2, v9, v6;
	[tilespmem:s14+$0x18300] =	vst v12  }
0x177: {  	v47 =	vmovc v48;
	v48 =	vmov v49;
	v11 =	vsel vm5, v19, v18;
	[tilespmem:s14+$0x19200] =	vst v13;
	v13 =	vsel vm3, v5, v7  }
0x178: {  	s15 =	sor.u32 s15, s13;
	v49 =	vmovc v50;
	v50 =	vmov v0;
	v10 =	vmul.f32 v1, v10;
	[tilespmem:s14+$0x19280] =	vst v4;
	v12 =	vsel vm8, v11, v13  }
0x179: {  	s15 =	sor.u32 $0x180, s15;
	v0 =	vmovc v51;
	v51 =	vmovc v52;
	v52 =	vmov v53;
	v53 =	vmov v54;
	v54 =	vmov v55;
	[tilespmem:s14+$0x19300] =	vst v12  }
0x17a: {  	v6 =	vsel vm2, v6, v9;
	v4 =	vsel vm8, v13, v11;
	v13 =	vmul.f32 v1, v14;
	[tilespmem:s15+$0x18200] =	vst v10  }
0x17b: {  	v55 =	vmovc v56;
	v56 =	vmov v57;
	v5 =	vsel vm3, v7, v5;
	v14 =	vsel vm1, v6, v8;
	[tilespmem:s15+$0x19200] =	vst v4  }
0x17c: {  	v57 =	vmovc v58;
	v58 =	vmov v59;
	v7 =	vsel vm6, v5, v14;
	v12 =	vmul.f32 v1, v15;
	[tilespmem:s14+$0x18400] =	vst v13  }
0x17d: {  	v59 =	vmovc v60;
	v60 =	vmovc v61;
	v61 =	vmov v62;
	v62 =	vmov v63;
	v63 =	vmov v2;
	[tilespmem:s14+$0x19400] =	vst v7  }
0x17e: {  	p0 =	sne.s32 s13, $0x1F0;
	v2 =	vsel vm0, v3, v21;
	v3 =	vsel vm1, v8, v6;
	v4 =	vsel vm6, v14, v5;
	[tilespmem:s14+$0x18480] =	vst v12  }
.Ltmp1:
0x17f: {  	v14 =	vsel vm7, v3, v2;
	v13 =	vmul.f32 v1, v16;
	[tilespmem:s14+$0x19480] =	vst v4;
	(pc) =	sbr.rel @p0 .LBB2_4-.Ltmp1, $4  }
0x180: {  	s30 =	sor.u32 s12, s13;
	v1 =	vmul.f32 v1, v17;
	[tilespmem:s14+$0x19500] =	vst v14  }
0x181: {  	s31 =	sor.u32 $0x380, s30;
	v21 =	vmov v22;
	[tilespmem:s14+$0x18500] =	vst v13  }
0x182: {  	v22 =	vmovc v23;
	v23 =	vmovc v24;
	v24 =	vmov v25;
	v25 =	vmov v33;
	v33 =	vld [tilespmem:$0x1FFF0];
	v2 =	vsel vm7, v2, v3;
	[tilespmem:s31+$0x18200] =	vst v1  }
0x183: {  	s12 =	sadd.s32 $0x80, s12;
	s13 =	sadd.s32 $0x10, s13;
	v17 =	vld [tilespmem:$0x1FFE0];
	[tilespmem:s31+$0x19200] =	vst v2  }
0x184: {  	[hbm4b:s4+s2] =	stream.linear.scatter [tilespmem:s9], [sflag:$0x1], $0x1000, $0x38;
	[tilespmem:$0x1A200] =	vst v63  }
0x185: {  	s11 =	sadd.s32 $0x1, s11;
	_ =	swait.ge [sflag:s7], $0x1000  }
0x186: {  	p0 =	sne.s32 s11, s6;
	[sflag:s7] =	ssyncset.done $0x0  }
.Ltmp2:
0x187: {  	[sflag:s7] =	ssyncadd.s32 $0xFFFFF000;
	(pc) =	sbr.rel @p0 .LBB2_1-.Ltmp2, $4  }
0x188: {  	[hbm4b:s5+s2] =	stream.linear.scatter [tilespmem:s10], [sflag:$0x1], $0x1000, $0x38;
	[tilespmem:$0x1A200] =	vst v63  }
0x189: {  	_ =	swait.ge [sflag:s7], $0x1000  }
0x18a: {  	[sflag:s7] =	ssyncset.done $0x0  }
0x18b: {  	[sflag:s7] =	ssyncadd.s32 $0xFFFFF000  }
0x18c: {  	_ =	sfence.sel $0x180000  }
0x18d: {  	[bflag:$0x0] =	sbarrier.arrive $0xFFFF  }
0x18e: {  	p0 =	sne.s32 s0, $0x0;
	_ =	strace $0x90000047  }
0x18f: {  	s0 =	sadd.s32 @!p0 $0x100000, s1;
	[bflag:$0x2] =	sbarrier.arrive $0xFFFF  }
0x190: {  	[sflag:s0] =	ssyncadd.tile.s32 @!p0 $0x1;
	_ =	shalt  }
.Lfunc_end2:
_tile_overlayer_lowered:
.L_overlay_start_2:
0x191: {  	(tag) =	ssettag $0x2  }
0x192: {  	s0 =	rddreg [dreg:$0x0];
	s2 =	stileid.u32  }
0x193: {  	s1 =	rddreg [dreg:$0x1];
	p0 =	sne.s32 s2, $0x0  }
0x194: {  	s3 =	rddreg [dreg:$0x2];
	[bflag:$0x3] =	sbarrier.arrive $0xFFFF;
	s2 =	simm.s32 @!p0 $0x1C01  }
0x195: {  	[timem:s3], [sflag:s2] =	dma.local @!p0 [hbm:s0], s1  }
0x196: {  	s0 =	simm.s32 @!p0 $0x1  }
0x197: {  	_ =	swait.ge @!p0 [sflag:s0], s1  }
0x198: {  	s1 =	ssub.s32 @!p0 $0x0, s1;
	[sflag:s0] =	ssyncset.done @!p0 $0x0  }
0x199: {  	[sflag:s0] =	ssyncadd.s32 @!p0 s1  }
0x19a: {  	[bflag:$0x3] =	sbarrier.arrive $0xFFFF  }
0x19b: {  	_ =	shalt  }

</sc_bundles>
